<compile_context>
chip_gen: v7x
topology: tpu7x:2x2x1
jax: 0.10.2.dev20260603
libtpu: 0.0.44.dev20260713+nightly
codegen_flags: <defaults>
</compile_context>

<pallas_src>
import functools

import jax
import jax.numpy as jnp
from jax import lax
from jax.experimental import pallas as pl
from jax.experimental.pallas import tpu as pltpu
from jax.experimental.pallas import tpu_sc as plsc

N = 10000
E = 160000
D = 256
H = 128
CD = 128
B = 64

NS = 16
EPT = E // NS
C3 = 80
NCH3 = EPT // C3
C1 = 80
NCH1 = EPT // C1
RWB = 1000
NB = 10
R = N // NB


def _deg_body(edge1d, zeros1, out_hbm, table, idx1d, ones_v, wb, sem):
    cid = lax.axis_index("c")
    sid = lax.axis_index("s")

    @pl.when(sid == 0)
    def _():
        pltpu.sync_copy(zeros1, table)

    for k in range(C1 // 16):
        ones_v[pl.ds(k * 16, 16)] = jnp.full((16,), 1.0, jnp.float32)
    pltpu.sync_copy(edge1d.at[pl.ds(cid * E + sid * EPT, EPT)], idx1d)
    plsc.subcore_barrier()

    def _sc(j):
        return pltpu.make_async_copy(
            ones_v, table.at[idx1d.at[pl.ds(j * C1, C1)]], sem
        )

    @pl.loop(0, NCH1 - NCH1 % 8, step=8)
    def _(j):
        for b in range(8):
            _sc(j + b).start(add=True)
        for b in range(8):
            _sc(j + b).wait()

    for b in range(NCH1 % 8):
        _sc(NCH1 - NCH1 % 8 + b).start(add=True)
    for b in range(NCH1 % 8):
        _sc(NCH1 - NCH1 % 8 + b).wait()

    plsc.subcore_barrier()

    @pl.when(sid < N // RWB)
    def _():
        r0 = sid * RWB
        pltpu.sync_copy(table.at[pl.ds(r0, RWB)], wb)
        pltpu.sync_copy(wb, out_hbm.at[pl.ds(cid * N + r0, RWB)])


def _prescale_body(x_ref, deg_ref, o0_ref, o1_ref):
    deg = deg_ref[0, 0, :]
    norm = lax.rsqrt(jnp.maximum(deg, 1.0))[:, None]
    h = x_ref[...] * norm
    o0_ref[...] = h[:, :H]
    o1_ref[...] = h[:, H:]


def _prescale(x, deg3d):
    PR = 2000
    return pl.pallas_call(
        _prescale_body,
        grid=(N // PR,),
        in_specs=[
            pl.BlockSpec((PR, D), lambda i: (i, 0)),
            pl.BlockSpec((1, 1, PR), lambda i: (i, 0, 0)),
        ],
        out_specs=[
            pl.BlockSpec((PR, H), lambda i: (i, 0)),
            pl.BlockSpec((PR, H), lambda i: (i, 0)),
        ],
        out_shape=[
            jax.ShapeDtypeStruct((N, H), jnp.float32),
            jax.ShapeDtypeStruct((N, H), jnp.float32),
        ],
    )(x, deg3d)


def _scat_body(edge1d, h0, h1, zeros_s, out_hbm, aggS, sidx, didx, rows,
               gsem, ssem):
    cid = lax.axis_index("c")
    sid = lax.axis_index("s")

    @pl.when(sid < N // RWB)
    def _():
        r0 = sid * RWB
        pltpu.sync_copy(zeros_s, aggS.at[pl.ds(r0, RWB)])

    pltpu.sync_copy(edge1d.at[pl.ds(sid * EPT, EPT)], sidx)
    pltpu.sync_copy(edge1d.at[pl.ds(E + sid * EPT, EPT)], didx)

    def _gather_start(jj, b):
        isl = sidx.at[pl.ds(jj * C3, C3)]

        @pl.when(cid == 0)
        def _():
            pltpu.make_async_copy(h0.at[isl], rows.at[b], gsem.at[b]).start()

        @pl.when(cid == 1)
        def _():
            pltpu.make_async_copy(h1.at[isl], rows.at[b], gsem.at[b]).start()

    def _gather_wait(jj, b):
        pltpu.make_async_copy(
            h0.at[sidx.at[pl.ds(jj * C3, C3)]], rows.at[b], gsem.at[b]
        ).wait()

    def _scatter(jj, b):
        return pltpu.make_async_copy(
            rows.at[b], aggS.at[didx.at[pl.ds(jj * C3, C3)]], ssem.at[b]
        )

    plsc.subcore_barrier()

    _gather_start(0, 0)
    _gather_start(1, 1)

    @pl.loop(0, NCH3, step=3)
    def _(j):
        for sl in range(3):
            b2 = (sl + 2) % 3
            jj = j + sl

            @pl.when(jj < NCH3)
            def _():
                @pl.when(jj >= 1)
                def _():
                    _scatter(jj - 1, b2).wait()

                @pl.when(jj + 2 < NCH3)
                def _():
                    _gather_start(jj + 2, b2)

                _gather_wait(jj, sl)
                _scatter(jj, sl).start(add=True)

    _scatter(NCH3 - 1, (NCH3 - 1) % 3).wait()
    plsc.subcore_barrier()

    @pl.when(sid < N // RWB)
    def _():
        r0 = sid * RWB
        pltpu.sync_copy(aggS.at[pl.ds(r0, RWB)], out_hbm.at[pl.ds(cid * N + r0, RWB)])


def _final_body(a0, a1, degin, xr, nidx, cond, f2W, f2b, W2a, W2b, b2, g2, bt2, out):
    ss = jnp.dot(cond[...], f2W[...], preferred_element_type=jnp.float32) + f2b[...]
    gamma = ss[:, :D]
    beta = ss[:, D:]
    idx = nidx[0, 0, :]
    oh = (idx[:, None] == lax.broadcasted_iota(jnp.int32, (1, B), 1)).astype(jnp.float32)
    gg = jnp.dot(oh, gamma, preferred_element_type=jnp.float32)
    bb = jnp.dot(oh, beta, preferred_element_type=jnp.float32)
    norm = lax.rsqrt(jnp.maximum(degin[0, 0, :], 1.0))[:, None]
    h2 = (
        jnp.dot(a0[...], W2a[...], preferred_element_type=jnp.float32)
        + jnp.dot(a1[...], W2b[...], preferred_element_type=jnp.float32)
    ) * norm + b2[...]
    mu = jnp.mean(h2, axis=1, keepdims=True)
    xc = h2 - mu
    var = jnp.mean(xc * xc, axis=1, keepdims=True)
    ln = xc * lax.rsqrt(var + 1e-5) * g2[...] + bt2[...]
    f = ln * (1.0 + gg) + bb
    out[...] = f * jax.nn.sigmoid(f) + xr[...]


def _final(agg, deg3d, x, n_index, cond, f2_W, f2_b, W2, b2, ln2_g, ln2_b):
    FR = 2000
    FNB = N // FR
    rep = lambda i: (0, 0)
    return pl.pallas_call(
        _final_body,
        grid=(FNB,),
        in_specs=[
            pl.BlockSpec((FR, H), lambda i: (i, 0)),
            pl.BlockSpec((FR, H), lambda i: (FNB + i, 0)),
            pl.BlockSpec((1, 1, FR), lambda i: (FNB + i, 0, 0)),
            pl.BlockSpec((FR, D), lambda i: (i, 0)),
            pl.BlockSpec((1, 1, FR), lambda i: (i, 0, 0)),
            pl.BlockSpec((B, CD), rep),
            pl.BlockSpec((CD, 2 * D), rep),
            pl.BlockSpec((1, 2 * D), rep),
            pl.BlockSpec((H, D), lambda i: (0, 0)),
            pl.BlockSpec((H, D), lambda i: (1, 0)),
            pl.BlockSpec((1, D), rep),
            pl.BlockSpec((1, D), rep),
            pl.BlockSpec((1, D), rep),
        ],
        out_specs=pl.BlockSpec((FR, D), lambda i: (i, 0)),
        out_shape=jax.ShapeDtypeStruct((N, D), jnp.float32),
    )(
        agg, agg, deg3d, x,
        n_index.reshape(FNB, 1, FR),
        cond, f2_W, f2_b.reshape(1, 2 * D),
        W2, W2,
        b2.reshape(1, D), ln2_g.reshape(1, D), ln2_b.reshape(1, D),
    )


@functools.lru_cache(maxsize=None)
def _sc_calls():
    mesh = plsc.VectorSubcoreMesh(
        core_axis_name="c", subcore_axis_name="s", num_cores=2, num_subcores=NS
    )
    deg_call = pl.kernel(
        _deg_body,
        out_type=jax.ShapeDtypeStruct((2 * N,), jnp.float32),
        mesh=mesh,
        scratch_types=[
            pltpu.VMEM_SHARED((N,), jnp.float32),
            pltpu.VMEM((EPT,), jnp.int32),
            pltpu.VMEM((C1,), jnp.float32),
            pltpu.VMEM((RWB,), jnp.float32),
            pltpu.SemaphoreType.DMA,
        ],
    )
    scat_call = pl.kernel(
        _scat_body,
        out_type=jax.ShapeDtypeStruct((2 * N, H), jnp.float32),
        mesh=mesh,
        scratch_types=[
            pltpu.VMEM_SHARED((N, H), jnp.float32),
            pltpu.VMEM((EPT,), jnp.int32),
            pltpu.VMEM((EPT,), jnp.int32),
            pltpu.VMEM((3, C3, H), jnp.float32),
            pltpu.SemaphoreType.DMA((3,)),
            pltpu.SemaphoreType.DMA((3,)),
        ],
    )
    return deg_call, scat_call


def kernel(edge_index, x, cond, n_index, W1, b1, ln1_g, ln1_b, f1_W, f1_b,
           W2, b2, ln2_g, ln2_b, f2_W, f2_b):
    _deg_call, _scat_call = _sc_calls()
    edge1d = edge_index.reshape(2 * E)

    degtbl = _deg_call(edge1d, jnp.zeros((N,), jnp.float32))
    deg3d = degtbl.reshape(2 * (N // 2000), 1, 2000)

    h0, h1 = _prescale(x, deg3d)

    agg = _scat_call(edge1d, h0, h1, jnp.zeros((RWB, H), jnp.float32))

    return _final(agg, deg3d, x, n_index, cond, f2_W, f2_b, W2, b2,
                  ln2_g, ln2_b)

# --- scband reference (transcript-rebuilt; emitter-appended) ---
"""Pipeline reference for scband-graph-res-block-75436805587135 (READ-ONLY COPY).

The authoritative reference and input builder live on the scoring server;
editing this copy changes nothing except your own understanding.
"""

import jax, jax.numpy as jnp
import numpy as np

N = 10000
E = 160000
D = 256
CD = 128
B = 64


def _graph_conv(x, src, dst, W, b):
    # DGL GraphConv with norm='both': D_dst^{-1/2} A D_src^{-1/2} X W + b
    ones = jnp.ones((src.shape[0],), jnp.float32)
    deg_out = jnp.zeros((N,), jnp.float32).at[src].add(ones)
    deg_in = jnp.zeros((N,), jnp.float32).at[dst].add(ones)
    norm_src = jax.lax.rsqrt(jnp.clip(deg_out, 1.0))
    norm_dst = jax.lax.rsqrt(jnp.clip(deg_in, 1.0))
    h = x * norm_src[:, None]
    agg = jnp.zeros((N, h.shape[1]), jnp.float32).at[dst].add(h[src])
    agg = agg * norm_dst[:, None]
    return agg @ W + b


def _layer_norm(x, g, b):
    mu = jnp.mean(x, axis=-1, keepdims=True)
    var = jnp.var(x, axis=-1, keepdims=True)
    return (x - mu) * jax.lax.rsqrt(var + 1e-5) * g + b


def _film(x, cond, n_index, Wf, bf):
    ss = cond @ Wf + bf
    gamma, beta = jnp.split(ss, 2, axis=-1)
    return x * (1.0 + gamma[n_index]) + beta[n_index]


def _silu(x):
    return x * jax.nn.sigmoid(x)


def setup_inputs(seed: int = 0):
    key = jax.random.key(seed)
    ks = jax.random.split(key, 20)
    inp = {}
    inp["edge_index"] = jax.random.randint(ks[1], (2, E), 0, N, jnp.int32)
    inp["x"] = jax.random.normal(ks[0], (N, D), jnp.float32)
    inp["cond"] = jax.random.normal(ks[2], (B, CD), jnp.float32)
    inp["n_index"] = jnp.sort(jax.random.randint(ks[3], (N,), 0, B, jnp.int32))
    s = 1.0 / np.sqrt(D)
    sc = 1.0 / np.sqrt(CD)
    inp["W1"] = jax.random.normal(ks[4], (D, D), jnp.float32) * s
    inp["b1"] = jnp.zeros((D,), jnp.float32)
    inp["ln1_g"] = jnp.ones((D,), jnp.float32)
    inp["ln1_b"] = jnp.zeros((D,), jnp.float32)
    inp["f1_W"] = jax.random.normal(ks[5], (CD, 2 * D), jnp.float32) * sc
    inp["f1_b"] = jnp.zeros((2 * D,), jnp.float32)
    inp["W2"] = jax.random.normal(ks[6], (D, D), jnp.float32) * s
    inp["b2"] = jnp.zeros((D,), jnp.float32)
    inp["ln2_g"] = jnp.ones((D,), jnp.float32)
    inp["ln2_b"] = jnp.zeros((D,), jnp.float32)
    inp["f2_W"] = jax.random.normal(ks[7], (CD, 2 * D), jnp.float32) * sc
    inp["f2_b"] = jnp.zeros((2 * D,), jnp.float32)
    return inp


def reference(edge_index, x, cond, n_index, W1, b1, ln1_g, ln1_b, f1_W, f1_b, W2, b2, ln2_g, ln2_b, f2_W, f2_b):
    src = edge_index[0]
    dst = edge_index[1]
    h = _graph_conv(x, src, dst, W1, b1)
    h = _layer_norm(h, ln1_g, ln1_b)
    h = _film(h, cond, n_index, f1_W, f1_b)
    h = _silu(h)
    # faithful to original code: second conv consumes x, overwriting h
    h = _graph_conv(x, src, dst, W2, b2)
    h = _layer_norm(h, ln2_g, ln2_b)
    h = _film(h, cond, n_index, f2_W, f2_b)
    h = _silu(h)
    # skip is Identity since in_dim == out_dim
    return h + x

if __name__ == "__main__":
    import jax
    _d = setup_inputs()
    print(jax.jit(kernel)(*tuple(_d.values())))

</pallas_src>

<mosaic_0001>
#map = affine_map<(d0, d1) -> (0)>
module attributes {stable_mosaic.version = 14 : i64} {
  func.func @_deg_body(%arg0: i32, %arg1: i32, %arg2: memref<320000xi32, #tpu.memory_space<hbm>>, %arg3: memref<10000xf32, #tpu.memory_space<hbm>>, %arg4: memref<20000xf32, #tpu.memory_space<hbm>>, %arg5: memref<10000xf32, #tpu.memory_space<vmem_shared>>, %arg6: memref<10000xi32, #tpu.memory_space<vmem>>, %arg7: memref<80xf32, #tpu.memory_space<vmem>>, %arg8: memref<1000xf32, #tpu.memory_space<vmem>>, %arg9: memref<!tpu.dma_semaphore, #tpu.memory_space<semaphore_mem>>) attributes {dimension_semantics = [#tpu.dimension_semantics<core_parallel>, #tpu.dimension_semantics<subcore_parallel>], iteration_bounds = array<i64: 2, 16>, scalar_prefetch = 0 : i64, scratch_operands = 5 : i64, tpu.core_type = #tpu.core_type<sc_vector_subcore>, window_params = [{transform_indices = #map}, {transform_indices = #map}, {transform_indices = #map}]} {
    %eq3A = arith.constant 0 : i32
    %eq3A_0 = arith.cmpi eq, %arg1, %eq3A : i32
    %convert_element_type3A = arith.extui %eq3A_0 : i1 to i32
    %cond3A = arith.constant 0 : i32
    %cond3A_1 = arith.cmpi ne, %convert_element_type3A, %cond3A : i32
    scf.if %cond3A_1 {
      "tpu.region"() ({
        %run_scoped3A = tpu.sem_alloc : memref<!tpu.dma_semaphore, #tpu.memory_space<semaphore_mem>>
        tpu.enqueue_dma source(%arg3 : memref<10000xf32, #tpu.memory_space<hbm>>) target(%arg5 : memref<10000xf32, #tpu.memory_space<vmem_shared>>) target_semaphore(%run_scoped3A : memref<!tpu.dma_semaphore, #tpu.memory_space<semaphore_mem>>)
        tpu.wait_dma2 semaphore(%run_scoped3A : memref<!tpu.dma_semaphore, #tpu.memory_space<semaphore_mem>>) src(%arg3 : memref<10000xf32, #tpu.memory_space<hbm>>) dst(%arg5 : memref<10000xf32, #tpu.memory_space<vmem_shared>>)
        tpu.yield
      }) : () -> ()
    } else {
    }
    %broadcast_in_dim3A = arith.constant 1.000000e+00 : f32
    %broadcast_in_dim3A_2 = vector.broadcast %broadcast_in_dim3A : f32 to vector<16xf32>
    %swap3A = arith.constant 0 : index
    %swap3A_3 = tpu.vector_load %arg7[%swap3A] {strides = array<i32>} : memref<80xf32, #tpu.memory_space<vmem>>, vector<16xf32>,
    %swap3A_4 = vector.shape_cast %swap3A_3 : vector<16xf32> to vector<16xf32>
    %swap3A_5 = vector.shape_cast %broadcast_in_dim3A_2 : vector<16xf32> to vector<16xf32>
    tpu.vector_store %arg7[%swap3A], %swap3A_5 {strides = array<i32>} : memref<80xf32, #tpu.memory_space<vmem>>, vector<16xf32>,
    %broadcast_in_dim3A_6 = arith.constant 1.000000e+00 : f32
    %broadcast_in_dim3A_7 = vector.broadcast %broadcast_in_dim3A_6 : f32 to vector<16xf32>
    %swap3A_8 = arith.constant 16 : index
    %swap3A_9 = tpu.vector_load %arg7[%swap3A_8] {strides = array<i32>} : memref<80xf32, #tpu.memory_space<vmem>>, vector<16xf32>,
    %swap3A_10 = vector.shape_cast %swap3A_9 : vector<16xf32> to vector<16xf32>
    %swap3A_11 = vector.shape_cast %broadcast_in_dim3A_7 : vector<16xf32> to vector<16xf32>
    tpu.vector_store %arg7[%swap3A_8], %swap3A_11 {strides = array<i32>} : memref<80xf32, #tpu.memory_space<vmem>>, vector<16xf32>,
    %broadcast_in_dim3A_12 = arith.constant 1.000000e+00 : f32
    %broadcast_in_dim3A_13 = vector.broadcast %broadcast_in_dim3A_12 : f32 to vector<16xf32>
    %swap3A_14 = arith.constant 32 : index
    %swap3A_15 = tpu.vector_load %arg7[%swap3A_14] {strides = array<i32>} : memref<80xf32, #tpu.memory_space<vmem>>, vector<16xf32>,
    %swap3A_16 = vector.shape_cast %swap3A_15 : vector<16xf32> to vector<16xf32>
    %swap3A_17 = vector.shape_cast %broadcast_in_dim3A_13 : vector<16xf32> to vector<16xf32>
    tpu.vector_store %arg7[%swap3A_14], %swap3A_17 {strides = array<i32>} : memref<80xf32, #tpu.memory_space<vmem>>, vector<16xf32>,
    %broadcast_in_dim3A_18 = arith.constant 1.000000e+00 : f32
    %broadcast_in_dim3A_19 = vector.broadcast %broadcast_in_dim3A_18 : f32 to vector<16xf32>
    %swap3A_20 = arith.constant 48 : index
    %swap3A_21 = tpu.vector_load %arg7[%swap3A_20] {strides = array<i32>} : memref<80xf32, #tpu.memory_space<vmem>>, vector<16xf32>,
    %swap3A_22 = vector.shape_cast %swap3A_21 : vector<16xf32> to vector<16xf32>
    %swap3A_23 = vector.shape_cast %broadcast_in_dim3A_19 : vector<16xf32> to vector<16xf32>
    tpu.vector_store %arg7[%swap3A_20], %swap3A_23 {strides = array<i32>} : memref<80xf32, #tpu.memory_space<vmem>>, vector<16xf32>,
    %broadcast_in_dim3A_24 = arith.constant 1.000000e+00 : f32
    %broadcast_in_dim3A_25 = vector.broadcast %broadcast_in_dim3A_24 : f32 to vector<16xf32>
    %swap3A_26 = arith.constant 64 : index
    %swap3A_27 = tpu.vector_load %arg7[%swap3A_26] {strides = array<i32>} : memref<80xf32, #tpu.memory_space<vmem>>, vector<16xf32>,
    %swap3A_28 = vector.shape_cast %swap3A_27 : vector<16xf32> to vector<16xf32>
    %swap3A_29 = vector.shape_cast %broadcast_in_dim3A_25 : vector<16xf32> to vector<16xf32>
    tpu.vector_store %arg7[%swap3A_26], %swap3A_29 {strides = array<i32>} : memref<80xf32, #tpu.memory_space<vmem>>, vector<16xf32>,
    %mul3A = arith.constant 160000 : i32
    %mul3A_30 = arith.muli %arg0, %mul3A : i32
    %mul3A_31 = arith.constant 10000 : i32
    %mul3A_32 = arith.muli %arg1, %mul3A_31 : i32
    %add3A = arith.addi %mul3A_30, %mul3A_32 : i32
    "tpu.region"() ({
      %run_scoped3A = tpu.sem_alloc : memref<!tpu.dma_semaphore, #tpu.memory_space<semaphore_mem>>
      %dma_start3A_80 = tpu.memref_slice %arg2[%add3A] : memref<320000xi32, #tpu.memory_space<hbm>> -> memref<10000xi32, #tpu.memory_space<hbm>>
      %dma_start3A_81 = tpu.memref_slice %arg2[%add3A] : memref<320000xi32, #tpu.memory_space<hbm>> -> memref<10000xi32, #tpu.memory_space<hbm>>
      tpu.enqueue_dma source(%dma_start3A_81 : memref<10000xi32, #tpu.memory_space<hbm>>) target(%arg6 : memref<10000xi32, #tpu.memory_space<vmem>>) target_semaphore(%run_scoped3A : memref<!tpu.dma_semaphore, #tpu.memory_space<semaphore_mem>>)
      %dma_wait3A_82 = tpu.memref_slice %arg2[%add3A] : memref<320000xi32, #tpu.memory_space<hbm>> -> memref<10000xi32, #tpu.memory_space<hbm>>
      %dma_wait3A_83 = tpu.memref_slice %arg2[%add3A] : memref<320000xi32, #tpu.memory_space<hbm>> -> memref<10000xi32, #tpu.memory_space<hbm>>
      tpu.wait_dma2 semaphore(%run_scoped3A : memref<!tpu.dma_semaphore, #tpu.memory_space<semaphore_mem>>) src(%dma_wait3A_83 : memref<10000xi32, #tpu.memory_space<hbm>>) dst(%arg6 : memref<10000xi32, #tpu.memory_space<vmem>>)
      tpu.yield
    }) : () -> ()
    %barrier3A = arith.constant 0 : index
    tpu.barrier barrier_id(%barrier3A)
    %scan3A = arith.constant 0 : i32
    %scan3A_33 = arith.constant 15 : i32
    %scan3A_34 = arith.addi %scan3A, %scan3A_33 : i32
    %scan3A_35 = arith.constant 1 : i32
    scf.for %scan3A_80 = %scan3A to %scan3A_34 step %scan3A_35  : i32 {
      %mul3A_81 = arith.constant 8 : i32
      %mul3A_82 = arith.muli %scan3A_80, %mul3A_81 : i32
      %add3A_83 = arith.constant 0 : i32
      %add3A_84 = arith.addi %add3A_83, %mul3A_82 : i32
      %add3A_85 = arith.constant 0 : i32
      %add3A_86 = arith.addi %add3A_84, %add3A_85 : i32
      %mul3A_87 = arith.constant 80 : i32
      %mul3A_88 = arith.muli %add3A_86, %mul3A_87 : i32
      %dma_start3A_89 = tpu.memref_slice %arg6[%mul3A_88] : memref<10000xi32, #tpu.memory_space<vmem>> -> memref<80xi32, #tpu.memory_space<vmem>>
      %dma_start3A_90 = arith.constant 0 : i32
      %dma_start3A_91 = tpu.memref_slice %arg5[%dma_start3A_90] : memref<10000xf32, #tpu.memory_space<vmem_shared>> -> memref<10000xf32, #tpu.memory_space<vmem_shared>>
      tpu.enqueue_indirect_dma source(%arg7 : memref<80xf32, #tpu.memory_space<vmem>>) target(%dma_start3A_91 : memref<10000xf32, #tpu.memory_space<vmem_shared>>) offsets(%dma_start3A_89 : memref<80xi32, #tpu.memory_space<vmem>>) semaphore(%arg9 : memref<!tpu.dma_semaphore, #tpu.memory_space<semaphore_mem>>) {add = true}
      %add3A_92 = arith.constant 1 : i32
      %add3A_93 = arith.addi %add3A_84, %add3A_92 : i32
      %mul3A_94 = arith.constant 80 : i32
      %mul3A_95 = arith.muli %add3A_93, %mul3A_94 : i32
      %dma_start3A_96 = tpu.memref_slice %arg6[%mul3A_95] : memref<10000xi32, #tpu.memory_space<vmem>> -> memref<80xi32, #tpu.memory_space<vmem>>
      %dma_start3A_97 = arith.constant 0 : i32
      %dma_start3A_98 = tpu.memref_slice %arg5[%dma_start3A_97] : memref<10000xf32, #tpu.memory_space<vmem_shared>> -> memref<10000xf32, #tpu.memory_space<vmem_shared>>
      tpu.enqueue_indirect_dma source(%arg7 : memref<80xf32, #tpu.memory_space<vmem>>) target(%dma_start3A_98 : memref<10000xf32, #tpu.memory_space<vmem_shared>>) offsets(%dma_start3A_96 : memref<80xi32, #tpu.memory_space<vmem>>) semaphore(%arg9 : memref<!tpu.dma_semaphore, #tpu.memory_space<semaphore_mem>>) {add = true}
      %add3A_99 = arith.constant 2 : i32
      %add3A_100 = arith.addi %add3A_84, %add3A_99 : i32
      %mul3A_101 = arith.constant 80 : i32
      %mul3A_102 = arith.muli %add3A_100, %mul3A_101 : i32
      %dma_start3A_103 = tpu.memref_slice %arg6[%mul3A_102] : memref<10000xi32, #tpu.memory_space<vmem>> -> memref<80xi32, #tpu.memory_space<vmem>>
      %dma_start3A_104 = arith.constant 0 : i32
      %dma_start3A_105 = tpu.memref_slice %arg5[%dma_start3A_104] : memref<10000xf32, #tpu.memory_space<vmem_shared>> -> memref<10000xf32, #tpu.memory_space<vmem_shared>>
      tpu.enqueue_indirect_dma source(%arg7 : memref<80xf32, #tpu.memory_space<vmem>>) target(%dma_start3A_105 : memref<10000xf32, #tpu.memory_space<vmem_shared>>) offsets(%dma_start3A_103 : memref<80xi32, #tpu.memory_space<vmem>>) semaphore(%arg9 : memref<!tpu.dma_semaphore, #tpu.memory_space<semaphore_mem>>) {add = true}
      %add3A_106 = arith.constant 3 : i32
      %add3A_107 = arith.addi %add3A_84, %add3A_106 : i32
      %mul3A_108 = arith.constant 80 : i32
      %mul3A_109 = arith.muli %add3A_107, %mul3A_108 : i32
      %dma_start3A_110 = tpu.memref_slice %arg6[%mul3A_109] : memref<10000xi32, #tpu.memory_space<vmem>> -> memref<80xi32, #tpu.memory_space<vmem>>
      %dma_start3A_111 = arith.constant 0 : i32
      %dma_start3A_112 = tpu.memref_slice %arg5[%dma_start3A_111] : memref<10000xf32, #tpu.memory_space<vmem_shared>> -> memref<10000xf32, #tpu.memory_space<vmem_shared>>
      tpu.enqueue_indirect_dma source(%arg7 : memref<80xf32, #tpu.memory_space<vmem>>) target(%dma_start3A_112 : memref<10000xf32, #tpu.memory_space<vmem_shared>>) offsets(%dma_start3A_110 : memref<80xi32, #tpu.memory_space<vmem>>) semaphore(%arg9 : memref<!tpu.dma_semaphore, #tpu.memory_space<semaphore_mem>>) {add = true}
      %add3A_113 = arith.constant 4 : i32
      %add3A_114 = arith.addi %add3A_84, %add3A_113 : i32
      %mul3A_115 = arith.constant 80 : i32
      %mul3A_116 = arith.muli %add3A_114, %mul3A_115 : i32
      %dma_start3A_117 = tpu.memref_slice %arg6[%mul3A_116] : memref<10000xi32, #tpu.memory_space<vmem>> -> memref<80xi32, #tpu.memory_space<vmem>>
      %dma_start3A_118 = arith.constant 0 : i32
      %dma_start3A_119 = tpu.memref_slice %arg5[%dma_start3A_118] : memref<10000xf32, #tpu.memory_space<vmem_shared>> -> memref<10000xf32, #tpu.memory_space<vmem_shared>>
      tpu.enqueue_indirect_dma source(%arg7 : memref<80xf32, #tpu.memory_space<vmem>>) target(%dma_start3A_119 : memref<10000xf32, #tpu.memory_space<vmem_shared>>) offsets(%dma_start3A_117 : memref<80xi32, #tpu.memory_space<vmem>>) semaphore(%arg9 : memref<!tpu.dma_semaphore, #tpu.memory_space<semaphore_mem>>) {add = true}
      %add3A_120 = arith.constant 5 : i32
      %add3A_121 = arith.addi %add3A_84, %add3A_120 : i32
      %mul3A_122 = arith.constant 80 : i32
      %mul3A_123 = arith.muli %add3A_121, %mul3A_122 : i32
      %dma_start3A_124 = tpu.memref_slice %arg6[%mul3A_123] : memref<10000xi32, #tpu.memory_space<vmem>> -> memref<80xi32, #tpu.memory_space<vmem>>
      %dma_start3A_125 = arith.constant 0 : i32
      %dma_start3A_126 = tpu.memref_slice %arg5[%dma_start3A_125] : memref<10000xf32, #tpu.memory_space<vmem_shared>> -> memref<10000xf32, #tpu.memory_space<vmem_shared>>
      tpu.enqueue_indirect_dma source(%arg7 : memref<80xf32, #tpu.memory_space<vmem>>) target(%dma_start3A_126 : memref<10000xf32, #tpu.memory_space<vmem_shared>>) offsets(%dma_start3A_124 : memref<80xi32, #tpu.memory_space<vmem>>) semaphore(%arg9 : memref<!tpu.dma_semaphore, #tpu.memory_space<semaphore_mem>>) {add = true}
      %add3A_127 = arith.constant 6 : i32
      %add3A_128 = arith.addi %add3A_84, %add3A_127 : i32
      %mul3A_129 = arith.constant 80 : i32
      %mul3A_130 = arith.muli %add3A_128, %mul3A_129 : i32
      %dma_start3A_131 = tpu.memref_slice %arg6[%mul3A_130] : memref<10000xi32, #tpu.memory_space<vmem>> -> memref<80xi32, #tpu.memory_space<vmem>>
      %dma_start3A_132 = arith.constant 0 : i32
      %dma_start3A_133 = tpu.memref_slice %arg5[%dma_start3A_132] : memref<10000xf32, #tpu.memory_space<vmem_shared>> -> memref<10000xf32, #tpu.memory_space<vmem_shared>>
      tpu.enqueue_indirect_dma source(%arg7 : memref<80xf32, #tpu.memory_space<vmem>>) target(%dma_start3A_133 : memref<10000xf32, #tpu.memory_space<vmem_shared>>) offsets(%dma_start3A_131 : memref<80xi32, #tpu.memory_space<vmem>>) semaphore(%arg9 : memref<!tpu.dma_semaphore, #tpu.memory_space<semaphore_mem>>) {add = true}
      %add3A_134 = arith.constant 7 : i32
      %add3A_135 = arith.addi %add3A_84, %add3A_134 : i32
      %mul3A_136 = arith.constant 80 : i32
      %mul3A_137 = arith.muli %add3A_135, %mul3A_136 : i32
      %dma_start3A_138 = tpu.memref_slice %arg6[%mul3A_137] : memref<10000xi32, #tpu.memory_space<vmem>> -> memref<80xi32, #tpu.memory_space<vmem>>
      %dma_start3A_139 = arith.constant 0 : i32
      %dma_start3A_140 = tpu.memref_slice %arg5[%dma_start3A_139] : memref<10000xf32, #tpu.memory_space<vmem_shared>> -> memref<10000xf32, #tpu.memory_space<vmem_shared>>
      tpu.enqueue_indirect_dma source(%arg7 : memref<80xf32, #tpu.memory_space<vmem>>) target(%dma_start3A_140 : memref<10000xf32, #tpu.memory_space<vmem_shared>>) offsets(%dma_start3A_138 : memref<80xi32, #tpu.memory_space<vmem>>) semaphore(%arg9 : memref<!tpu.dma_semaphore, #tpu.memory_space<semaphore_mem>>) {add = true}
      %add3A_141 = arith.constant 0 : i32
      %add3A_142 = arith.addi %add3A_84, %add3A_141 : i32
      %mul3A_143 = arith.constant 80 : i32
      %mul3A_144 = arith.muli %add3A_142, %mul3A_143 : i32
      %dma_wait3A_145 = tpu.memref_slice %arg6[%mul3A_144] : memref<10000xi32, #tpu.memory_space<vmem>> -> memref<80xi32, #tpu.memory_space<vmem>>
      %dma_wait3A_146 = arith.constant 0 : i32
      %dma_wait3A_147 = tpu.memref_slice %arg5[%dma_wait3A_146] : memref<10000xf32, #tpu.memory_space<vmem_shared>> -> memref<10000xf32, #tpu.memory_space<vmem_shared>>
      tpu.wait_indirect_dma semaphore(%arg9 : memref<!tpu.dma_semaphore, #tpu.memory_space<semaphore_mem>>) src(%arg7 : memref<80xf32, #tpu.memory_space<vmem>>) dst(%dma_wait3A_147 : memref<10000xf32, #tpu.memory_space<vmem_shared>>)
      %add3A_148 = arith.constant 1 : i32
      %add3A_149 = arith.addi %add3A_84, %add3A_148 : i32
      %mul3A_150 = arith.constant 80 : i32
      %mul3A_151 = arith.muli %add3A_149, %mul3A_150 : i32
      %dma_wait3A_152 = tpu.memref_slice %arg6[%mul3A_151] : memref<10000xi32, #tpu.memory_space<vmem>> -> memref<80xi32, #tpu.memory_space<vmem>>
      %dma_wait3A_153 = arith.constant 0 : i32
      %dma_wait3A_154 = tpu.memref_slice %arg5[%dma_wait3A_153] : memref<10000xf32, #tpu.memory_space<vmem_shared>> -> memref<10000xf32, #tpu.memory_space<vmem_shared>>
      tpu.wait_indirect_dma semaphore(%arg9 : memref<!tpu.dma_semaphore, #tpu.memory_space<semaphore_mem>>) src(%arg7 : memref<80xf32, #tpu.memory_space<vmem>>) dst(%dma_wait3A_154 : memref<10000xf32, #tpu.memory_space<vmem_shared>>)
      %add3A_155 = arith.constant 2 : i32
      %add3A_156 = arith.addi %add3A_84, %add3A_155 : i32
      %mul3A_157 = arith.constant 80 : i32
      %mul3A_158 = arith.muli %add3A_156, %mul3A_157 : i32
      %dma_wait3A_159 = tpu.memref_slice %arg6[%mul3A_158] : memref<10000xi32, #tpu.memory_space<vmem>> -> memref<80xi32, #tpu.memory_space<vmem>>
      %dma_wait3A_160 = arith.constant 0 : i32
      %dma_wait3A_161 = tpu.memref_slice %arg5[%dma_wait3A_160] : memref<10000xf32, #tpu.memory_space<vmem_shared>> -> memref<10000xf32, #tpu.memory_space<vmem_shared>>
      tpu.wait_indirect_dma semaphore(%arg9 : memref<!tpu.dma_semaphore, #tpu.memory_space<semaphore_mem>>) src(%arg7 : memref<80xf32, #tpu.memory_space<vmem>>) dst(%dma_wait3A_161 : memref<10000xf32, #tpu.memory_space<vmem_shared>>)
      %add3A_162 = arith.constant 3 : i32
      %add3A_163 = arith.addi %add3A_84, %add3A_162 : i32
      %mul3A_164 = arith.constant 80 : i32
      %mul3A_165 = arith.muli %add3A_163, %mul3A_164 : i32
      %dma_wait3A_166 = tpu.memref_slice %arg6[%mul3A_165] : memref<10000xi32, #tpu.memory_space<vmem>> -> memref<80xi32, #tpu.memory_space<vmem>>
      %dma_wait3A_167 = arith.constant 0 : i32
      %dma_wait3A_168 = tpu.memref_slice %arg5[%dma_wait3A_167] : memref<10000xf32, #tpu.memory_space<vmem_shared>> -> memref<10000xf32, #tpu.memory_space<vmem_shared>>
      tpu.wait_indirect_dma semaphore(%arg9 : memref<!tpu.dma_semaphore, #tpu.memory_space<semaphore_mem>>) src(%arg7 : memref<80xf32, #tpu.memory_space<vmem>>) dst(%dma_wait3A_168 : memref<10000xf32, #tpu.memory_space<vmem_shared>>)
      %add3A_169 = arith.constant 4 : i32
      %add3A_170 = arith.addi %add3A_84, %add3A_169 : i32
      %mul3A_171 = arith.constant 80 : i32
      %mul3A_172 = arith.muli %add3A_170, %mul3A_171 : i32
      %dma_wait3A_173 = tpu.memref_slice %arg6[%mul3A_172] : memref<10000xi32, #tpu.memory_space<vmem>> -> memref<80xi32, #tpu.memory_space<vmem>>
      %dma_wait3A_174 = arith.constant 0 : i32
      %dma_wait3A_175 = tpu.memref_slice %arg5[%dma_wait3A_174] : memref<10000xf32, #tpu.memory_space<vmem_shared>> -> memref<10000xf32, #tpu.memory_space<vmem_shared>>
      tpu.wait_indirect_dma semaphore(%arg9 : memref<!tpu.dma_semaphore, #tpu.memory_space<semaphore_mem>>) src(%arg7 : memref<80xf32, #tpu.memory_space<vmem>>) dst(%dma_wait3A_175 : memref<10000xf32, #tpu.memory_space<vmem_shared>>)
      %add3A_176 = arith.constant 5 : i32
      %add3A_177 = arith.addi %add3A_84, %add3A_176 : i32
      %mul3A_178 = arith.constant 80 : i32
      %mul3A_179 = arith.muli %add3A_177, %mul3A_178 : i32
      %dma_wait3A_180 = tpu.memref_slice %arg6[%mul3A_179] : memref<10000xi32, #tpu.memory_space<vmem>> -> memref<80xi32, #tpu.memory_space<vmem>>
      %dma_wait3A_181 = arith.constant 0 : i32
      %dma_wait3A_182 = tpu.memref_slice %arg5[%dma_wait3A_181] : memref<10000xf32, #tpu.memory_space<vmem_shared>> -> memref<10000xf32, #tpu.memory_space<vmem_shared>>
      tpu.wait_indirect_dma semaphore(%arg9 : memref<!tpu.dma_semaphore, #tpu.memory_space<semaphore_mem>>) src(%arg7 : memref<80xf32, #tpu.memory_space<vmem>>) dst(%dma_wait3A_182 : memref<10000xf32, #tpu.memory_space<vmem_shared>>)
      %add3A_183 = arith.constant 6 : i32
      %add3A_184 = arith.addi %add3A_84, %add3A_183 : i32
      %mul3A_185 = arith.constant 80 : i32
      %mul3A_186 = arith.muli %add3A_184, %mul3A_185 : i32
      %dma_wait3A_187 = tpu.memref_slice %arg6[%mul3A_186] : memref<10000xi32, #tpu.memory_space<vmem>> -> memref<80xi32, #tpu.memory_space<vmem>>
      %dma_wait3A_188 = arith.constant 0 : i32
      %dma_wait3A_189 = tpu.memref_slice %arg5[%dma_wait3A_188] : memref<10000xf32, #tpu.memory_space<vmem_shared>> -> memref<10000xf32, #tpu.memory_space<vmem_shared>>
      tpu.wait_indirect_dma semaphore(%arg9 : memref<!tpu.dma_semaphore, #tpu.memory_space<semaphore_mem>>) src(%arg7 : memref<80xf32, #tpu.memory_space<vmem>>) dst(%dma_wait3A_189 : memref<10000xf32, #tpu.memory_space<vmem_shared>>)
      %add3A_190 = arith.constant 7 : i32
      %add3A_191 = arith.addi %add3A_84, %add3A_190 : i32
      %mul3A_192 = arith.constant 80 : i32
      %mul3A_193 = arith.muli %add3A_191, %mul3A_192 : i32
      %dma_wait3A_194 = tpu.memref_slice %arg6[%mul3A_193] : memref<10000xi32, #tpu.memory_space<vmem>> -> memref<80xi32, #tpu.memory_space<vmem>>
      %dma_wait3A_195 = arith.constant 0 : i32
      %dma_wait3A_196 = tpu.memref_slice %arg5[%dma_wait3A_195] : memref<10000xf32, #tpu.memory_space<vmem_shared>> -> memref<10000xf32, #tpu.memory_space<vmem_shared>>
      tpu.wait_indirect_dma semaphore(%arg9 : memref<!tpu.dma_semaphore, #tpu.memory_space<semaphore_mem>>) src(%arg7 : memref<80xf32, #tpu.memory_space<vmem>>) dst(%dma_wait3A_196 : memref<10000xf32, #tpu.memory_space<vmem_shared>>)
    }
    %scan3A_36 = arith.constant 15 : i32
    %dma_start3A = arith.constant 9600 : i32
    %dma_start3A_37 = tpu.memref_slice %arg6[%dma_start3A] : memref<10000xi32, #tpu.memory_space<vmem>> -> memref<80xi32, #tpu.memory_space<vmem>>
    %dma_start3A_38 = arith.constant 0 : i32
    %dma_start3A_39 = tpu.memref_slice %arg5[%dma_start3A_38] : memref<10000xf32, #tpu.memory_space<vmem_shared>> -> memref<10000xf32, #tpu.memory_space<vmem_shared>>
    tpu.enqueue_indirect_dma source(%arg7 : memref<80xf32, #tpu.memory_space<vmem>>) target(%dma_start3A_39 : memref<10000xf32, #tpu.memory_space<vmem_shared>>) offsets(%dma_start3A_37 : memref<80xi32, #tpu.memory_space<vmem>>) semaphore(%arg9 : memref<!tpu.dma_semaphore, #tpu.memory_space<semaphore_mem>>) {add = true}
    %dma_start3A_40 = arith.constant 9680 : i32
    %dma_start3A_41 = tpu.memref_slice %arg6[%dma_start3A_40] : memref<10000xi32, #tpu.memory_space<vmem>> -> memref<80xi32, #tpu.memory_space<vmem>>
    %dma_start3A_42 = arith.constant 0 : i32
    %dma_start3A_43 = tpu.memref_slice %arg5[%dma_start3A_42] : memref<10000xf32, #tpu.memory_space<vmem_shared>> -> memref<10000xf32, #tpu.memory_space<vmem_shared>>
    tpu.enqueue_indirect_dma source(%arg7 : memref<80xf32, #tpu.memory_space<vmem>>) target(%dma_start3A_43 : memref<10000xf32, #tpu.memory_space<vmem_shared>>) offsets(%dma_start3A_41 : memref<80xi32, #tpu.memory_space<vmem>>) semaphore(%arg9 : memref<!tpu.dma_semaphore, #tpu.memory_space<semaphore_mem>>) {add = true}
    %dma_start3A_44 = arith.constant 9760 : i32
    %dma_start3A_45 = tpu.memref_slice %arg6[%dma_start3A_44] : memref<10000xi32, #tpu.memory_space<vmem>> -> memref<80xi32, #tpu.memory_space<vmem>>
    %dma_start3A_46 = arith.constant 0 : i32
    %dma_start3A_47 = tpu.memref_slice %arg5[%dma_start3A_46] : memref<10000xf32, #tpu.memory_space<vmem_shared>> -> memref<10000xf32, #tpu.memory_space<vmem_shared>>
    tpu.enqueue_indirect_dma source(%arg7 : memref<80xf32, #tpu.memory_space<vmem>>) target(%dma_start3A_47 : memref<10000xf32, #tpu.memory_space<vmem_shared>>) offsets(%dma_start3A_45 : memref<80xi32, #tpu.memory_space<vmem>>) semaphore(%arg9 : memref<!tpu.dma_semaphore, #tpu.memory_space<semaphore_mem>>) {add = true}
    %dma_start3A_48 = arith.constant 9840 : i32
    %dma_start3A_49 = tpu.memref_slice %arg6[%dma_start3A_48] : memref<10000xi32, #tpu.memory_space<vmem>> -> memref<80xi32, #tpu.memory_space<vmem>>
    %dma_start3A_50 = arith.constant 0 : i32
    %dma_start3A_51 = tpu.memref_slice %arg5[%dma_start3A_50] : memref<10000xf32, #tpu.memory_space<vmem_shared>> -> memref<10000xf32, #tpu.memory_space<vmem_shared>>
    tpu.enqueue_indirect_dma source(%arg7 : memref<80xf32, #tpu.memory_space<vmem>>) target(%dma_start3A_51 : memref<10000xf32, #tpu.memory_space<vmem_shared>>) offsets(%dma_start3A_49 : memref<80xi32, #tpu.memory_space<vmem>>) semaphore(%arg9 : memref<!tpu.dma_semaphore, #tpu.memory_space<semaphore_mem>>) {add = true}
    %dma_start3A_52 = arith.constant 9920 : i32
    %dma_start3A_53 = tpu.memref_slice %arg6[%dma_start3A_52] : memref<10000xi32, #tpu.memory_space<vmem>> -> memref<80xi32, #tpu.memory_space<vmem>>
    %dma_start3A_54 = arith.constant 0 : i32
    %dma_start3A_55 = tpu.memref_slice %arg5[%dma_start3A_54] : memref<10000xf32, #tpu.memory_space<vmem_shared>> -> memref<10000xf32, #tpu.memory_space<vmem_shared>>
    tpu.enqueue_indirect_dma source(%arg7 : memref<80xf32, #tpu.memory_space<vmem>>) target(%dma_start3A_55 : memref<10000xf32, #tpu.memory_space<vmem_shared>>) offsets(%dma_start3A_53 : memref<80xi32, #tpu.memory_space<vmem>>) semaphore(%arg9 : memref<!tpu.dma_semaphore, #tpu.memory_space<semaphore_mem>>) {add = true}
    %dma_wait3A = arith.constant 9600 : i32
    %dma_wait3A_56 = tpu.memref_slice %arg6[%dma_wait3A] : memref<10000xi32, #tpu.memory_space<vmem>> -> memref<80xi32, #tpu.memory_space<vmem>>
    %dma_wait3A_57 = arith.constant 0 : i32
    %dma_wait3A_58 = tpu.memref_slice %arg5[%dma_wait3A_57] : memref<10000xf32, #tpu.memory_space<vmem_shared>> -> memref<10000xf32, #tpu.memory_space<vmem_shared>>
    tpu.wait_indirect_dma semaphore(%arg9 : memref<!tpu.dma_semaphore, #tpu.memory_space<semaphore_mem>>) src(%arg7 : memref<80xf32, #tpu.memory_space<vmem>>) dst(%dma_wait3A_58 : memref<10000xf32, #tpu.memory_space<vmem_shared>>)
    %dma_wait3A_59 = arith.constant 9680 : i32
    %dma_wait3A_60 = tpu.memref_slice %arg6[%dma_wait3A_59] : memref<10000xi32, #tpu.memory_space<vmem>> -> memref<80xi32, #tpu.memory_space<vmem>>
    %dma_wait3A_61 = arith.constant 0 : i32
    %dma_wait3A_62 = tpu.memref_slice %arg5[%dma_wait3A_61] : memref<10000xf32, #tpu.memory_space<vmem_shared>> -> memref<10000xf32, #tpu.memory_space<vmem_shared>>
    tpu.wait_indirect_dma semaphore(%arg9 : memref<!tpu.dma_semaphore, #tpu.memory_space<semaphore_mem>>) src(%arg7 : memref<80xf32, #tpu.memory_space<vmem>>) dst(%dma_wait3A_62 : memref<10000xf32, #tpu.memory_space<vmem_shared>>)
    %dma_wait3A_63 = arith.constant 9760 : i32
    %dma_wait3A_64 = tpu.memref_slice %arg6[%dma_wait3A_63] : memref<10000xi32, #tpu.memory_space<vmem>> -> memref<80xi32, #tpu.memory_space<vmem>>
    %dma_wait3A_65 = arith.constant 0 : i32
    %dma_wait3A_66 = tpu.memref_slice %arg5[%dma_wait3A_65] : memref<10000xf32, #tpu.memory_space<vmem_shared>> -> memref<10000xf32, #tpu.memory_space<vmem_shared>>
    tpu.wait_indirect_dma semaphore(%arg9 : memref<!tpu.dma_semaphore, #tpu.memory_space<semaphore_mem>>) src(%arg7 : memref<80xf32, #tpu.memory_space<vmem>>) dst(%dma_wait3A_66 : memref<10000xf32, #tpu.memory_space<vmem_shared>>)
    %dma_wait3A_67 = arith.constant 9840 : i32
    %dma_wait3A_68 = tpu.memref_slice %arg6[%dma_wait3A_67] : memref<10000xi32, #tpu.memory_space<vmem>> -> memref<80xi32, #tpu.memory_space<vmem>>
    %dma_wait3A_69 = arith.constant 0 : i32
    %dma_wait3A_70 = tpu.memref_slice %arg5[%dma_wait3A_69] : memref<10000xf32, #tpu.memory_space<vmem_shared>> -> memref<10000xf32, #tpu.memory_space<vmem_shared>>
    tpu.wait_indirect_dma semaphore(%arg9 : memref<!tpu.dma_semaphore, #tpu.memory_space<semaphore_mem>>) src(%arg7 : memref<80xf32, #tpu.memory_space<vmem>>) dst(%dma_wait3A_70 : memref<10000xf32, #tpu.memory_space<vmem_shared>>)
    %dma_wait3A_71 = arith.constant 9920 : i32
    %dma_wait3A_72 = tpu.memref_slice %arg6[%dma_wait3A_71] : memref<10000xi32, #tpu.memory_space<vmem>> -> memref<80xi32, #tpu.memory_space<vmem>>
    %dma_wait3A_73 = arith.constant 0 : i32
    %dma_wait3A_74 = tpu.memref_slice %arg5[%dma_wait3A_73] : memref<10000xf32, #tpu.memory_space<vmem_shared>> -> memref<10000xf32, #tpu.memory_space<vmem_shared>>
    tpu.wait_indirect_dma semaphore(%arg9 : memref<!tpu.dma_semaphore, #tpu.memory_space<semaphore_mem>>) src(%arg7 : memref<80xf32, #tpu.memory_space<vmem>>) dst(%dma_wait3A_74 : memref<10000xf32, #tpu.memory_space<vmem_shared>>)
    %barrier3A_75 = arith.constant 0 : index
    tpu.barrier barrier_id(%barrier3A_75)
    %lt3A = arith.constant 10 : i32
    %lt3A_76 = arith.cmpi slt, %arg1, %lt3A : i32
    %convert_element_type3A_77 = arith.extui %lt3A_76 : i1 to i32
    %cond3A_78 = arith.constant 0 : i32
    %cond3A_79 = arith.cmpi ne, %convert_element_type3A_77, %cond3A_78 : i32
    scf.if %cond3A_79 {
      %mul3A_80 = arith.constant 1000 : i32
      %mul3A_81 = arith.muli %arg1, %mul3A_80 : i32
      "tpu.region"() ({
        %run_scoped3A = tpu.sem_alloc : memref<!tpu.dma_semaphore, #tpu.memory_space<semaphore_mem>>
        %dma_start3A_85 = tpu.memref_slice %arg5[%mul3A_81] : memref<10000xf32, #tpu.memory_space<vmem_shared>> -> memref<1000xf32, #tpu.memory_space<vmem_shared>>
        %dma_start3A_86 = tpu.memref_slice %arg5[%mul3A_81] : memref<10000xf32, #tpu.memory_space<vmem_shared>> -> memref<1000xf32, #tpu.memory_space<vmem_shared>>
        tpu.enqueue_dma source(%dma_start3A_86 : memref<1000xf32, #tpu.memory_space<vmem_shared>>) target(%arg8 : memref<1000xf32, #tpu.memory_space<vmem>>) target_semaphore(%run_scoped3A : memref<!tpu.dma_semaphore, #tpu.memory_space<semaphore_mem>>)
        %dma_wait3A_87 = tpu.memref_slice %arg5[%mul3A_81] : memref<10000xf32, #tpu.memory_space<vmem_shared>> -> memref<1000xf32, #tpu.memory_space<vmem_shared>>
        %dma_wait3A_88 = tpu.memref_slice %arg5[%mul3A_81] : memref<10000xf32, #tpu.memory_space<vmem_shared>> -> memref<1000xf32, #tpu.memory_space<vmem_shared>>
        tpu.wait_dma2 semaphore(%run_scoped3A : memref<!tpu.dma_semaphore, #tpu.memory_space<semaphore_mem>>) src(%dma_wait3A_88 : memref<1000xf32, #tpu.memory_space<vmem_shared>>) dst(%arg8 : memref<1000xf32, #tpu.memory_space<vmem>>)
        tpu.yield
      }) : () -> ()
      %mul3A_82 = arith.constant 10000 : i32
      %mul3A_83 = arith.muli %arg0, %mul3A_82 : i32
      %add3A_84 = arith.addi %mul3A_83, %mul3A_81 : i32
      "tpu.region"() ({
        %run_scoped3A = tpu.sem_alloc : memref<!tpu.dma_semaphore, #tpu.memory_space<semaphore_mem>>
        %dma_start3A_85 = tpu.memref_slice %arg4[%add3A_84] : memref<20000xf32, #tpu.memory_space<hbm>> -> memref<1000xf32, #tpu.memory_space<hbm>>
        %dma_start3A_86 = tpu.memref_slice %arg4[%add3A_84] : memref<20000xf32, #tpu.memory_space<hbm>> -> memref<1000xf32, #tpu.memory_space<hbm>>
        tpu.enqueue_dma source(%arg8 : memref<1000xf32, #tpu.memory_space<vmem>>) target(%dma_start3A_86 : memref<1000xf32, #tpu.memory_space<hbm>>) target_semaphore(%run_scoped3A : memref<!tpu.dma_semaphore, #tpu.memory_space<semaphore_mem>>)
        %dma_wait3A_87 = tpu.memref_slice %arg4[%add3A_84] : memref<20000xf32, #tpu.memory_space<hbm>> -> memref<1000xf32, #tpu.memory_space<hbm>>
        %dma_wait3A_88 = tpu.memref_slice %arg4[%add3A_84] : memref<20000xf32, #tpu.memory_space<hbm>> -> memref<1000xf32, #tpu.memory_space<hbm>>
        tpu.wait_dma2 semaphore(%run_scoped3A : memref<!tpu.dma_semaphore, #tpu.memory_space<semaphore_mem>>) src(%arg8 : memref<1000xf32, #tpu.memory_space<vmem>>) dst(%dma_wait3A_88 : memref<1000xf32, #tpu.memory_space<hbm>>)
        tpu.yield
      }) : () -> ()
    } else {
    }
    return
  }
}

#map = affine_map<(d0, d1) -> (0)>
#map1 = affine_map<(d0, d1) -> (0, 0)>
module attributes {stable_mosaic.version = 14 : i64} {
  func.func @_scat_body(%arg0: i32, %arg1: i32, %arg2: memref<320000xi32, #tpu.memory_space<hbm>>, %arg3: memref<10000x128xf32, #tpu.memory_space<hbm>>, %arg4: memref<10000x128xf32, #tpu.memory_space<hbm>>, %arg5: memref<1000x128xf32, #tpu.memory_space<hbm>>, %arg6: memref<20000x128xf32, #tpu.memory_space<hbm>>, %arg7: memref<10000x128xf32, #tpu.memory_space<vmem_shared>>, %arg8: memref<10000xi32, #tpu.memory_space<vmem>>, %arg9: memref<10000xi32, #tpu.memory_space<vmem>>, %arg10: memref<3x80x128xf32, #tpu.memory_space<vmem>>, %arg11: memref<3x!tpu.dma_semaphore, #tpu.memory_space<semaphore_mem>>, %arg12: memref<3x!tpu.dma_semaphore, #tpu.memory_space<semaphore_mem>>) attributes {dimension_semantics = [#tpu.dimension_semantics<core_parallel>, #tpu.dimension_semantics<subcore_parallel>], iteration_bounds = array<i64: 2, 16>, scalar_prefetch = 0 : i64, scratch_operands = 6 : i64, tpu.core_type = #tpu.core_type<sc_vector_subcore>, window_params = [{transform_indices = #map}, {transform_indices = #map1}, {transform_indices = #map1}, {transform_indices = #map1}, {transform_indices = #map1}]} {
    %lt3A = arith.constant 10 : i32
    %lt3A_0 = arith.cmpi slt, %arg1, %lt3A : i32
    %convert_element_type3A = arith.extui %lt3A_0 : i1 to i32
    %cond3A = arith.constant 0 : i32
    %cond3A_1 = arith.cmpi ne, %convert_element_type3A, %cond3A : i32
    scf.if %cond3A_1 {
      %mul3A_47 = arith.constant 1000 : i32
      %mul3A_48 = arith.muli %arg1, %mul3A_47 : i32
      "tpu.region"() ({
        %run_scoped3A = tpu.sem_alloc : memref<!tpu.dma_semaphore, #tpu.memory_space<semaphore_mem>>
        %dma_start3A = arith.constant 0 : i32
        %dma_start3A_49 = tpu.memref_slice %arg7[%mul3A_48, %dma_start3A] : memref<10000x128xf32, #tpu.memory_space<vmem_shared>> -> memref<1000x128xf32, #tpu.memory_space<vmem_shared>>
        tpu.enqueue_dma source(%arg5 : memref<1000x128xf32, #tpu.memory_space<hbm>>) target(%dma_start3A_49 : memref<1000x128xf32, #tpu.memory_space<vmem_shared>>) target_semaphore(%run_scoped3A : memref<!tpu.dma_semaphore, #tpu.memory_space<semaphore_mem>>)
        %dma_wait3A_50 = arith.constant 0 : i32
        %dma_wait3A_51 = tpu.memref_slice %arg7[%mul3A_48, %dma_wait3A_50] : memref<10000x128xf32, #tpu.memory_space<vmem_shared>> -> memref<1000x128xf32, #tpu.memory_space<vmem_shared>>
        tpu.wait_dma2 semaphore(%run_scoped3A : memref<!tpu.dma_semaphore, #tpu.memory_space<semaphore_mem>>) src(%arg5 : memref<1000x128xf32, #tpu.memory_space<hbm>>) dst(%dma_wait3A_51 : memref<1000x128xf32, #tpu.memory_space<vmem_shared>>)
        tpu.yield
      }) : () -> ()
    } else {
    }
    %mul3A = arith.constant 10000 : i32
    %mul3A_2 = arith.muli %arg1, %mul3A : i32
    "tpu.region"() ({
      %run_scoped3A = tpu.sem_alloc : memref<!tpu.dma_semaphore, #tpu.memory_space<semaphore_mem>>
      %dma_start3A = tpu.memref_slice %arg2[%mul3A_2] : memref<320000xi32, #tpu.memory_space<hbm>> -> memref<10000xi32, #tpu.memory_space<hbm>>
      %dma_start3A_47 = tpu.memref_slice %arg2[%mul3A_2] : memref<320000xi32, #tpu.memory_space<hbm>> -> memref<10000xi32, #tpu.memory_space<hbm>>
      tpu.enqueue_dma source(%dma_start3A_47 : memref<10000xi32, #tpu.memory_space<hbm>>) target(%arg8 : memref<10000xi32, #tpu.memory_space<vmem>>) target_semaphore(%run_scoped3A : memref<!tpu.dma_semaphore, #tpu.memory_space<semaphore_mem>>)
      %dma_wait3A_48 = tpu.memref_slice %arg2[%mul3A_2] : memref<320000xi32, #tpu.memory_space<hbm>> -> memref<10000xi32, #tpu.memory_space<hbm>>
      %dma_wait3A_49 = tpu.memref_slice %arg2[%mul3A_2] : memref<320000xi32, #tpu.memory_space<hbm>> -> memref<10000xi32, #tpu.memory_space<hbm>>
      tpu.wait_dma2 semaphore(%run_scoped3A : memref<!tpu.dma_semaphore, #tpu.memory_space<semaphore_mem>>) src(%dma_wait3A_49 : memref<10000xi32, #tpu.memory_space<hbm>>) dst(%arg8 : memref<10000xi32, #tpu.memory_space<vmem>>)
      tpu.yield
    }) : () -> ()
    %mul3A_3 = arith.constant 10000 : i32
    %mul3A_4 = arith.muli %arg1, %mul3A_3 : i32
    %add3A = arith.constant 160000 : i32
    %add3A_5 = arith.addi %add3A, %mul3A_4 : i32
    "tpu.region"() ({
      %run_scoped3A = tpu.sem_alloc : memref<!tpu.dma_semaphore, #tpu.memory_space<semaphore_mem>>
      %dma_start3A = tpu.memref_slice %arg2[%add3A_5] : memref<320000xi32, #tpu.memory_space<hbm>> -> memref<10000xi32, #tpu.memory_space<hbm>>
      %dma_start3A_47 = tpu.memref_slice %arg2[%add3A_5] : memref<320000xi32, #tpu.memory_space<hbm>> -> memref<10000xi32, #tpu.memory_space<hbm>>
      tpu.enqueue_dma source(%dma_start3A_47 : memref<10000xi32, #tpu.memory_space<hbm>>) target(%arg9 : memref<10000xi32, #tpu.memory_space<vmem>>) target_semaphore(%run_scoped3A : memref<!tpu.dma_semaphore, #tpu.memory_space<semaphore_mem>>)
      %dma_wait3A_48 = tpu.memref_slice %arg2[%add3A_5] : memref<320000xi32, #tpu.memory_space<hbm>> -> memref<10000xi32, #tpu.memory_space<hbm>>
      %dma_wait3A_49 = tpu.memref_slice %arg2[%add3A_5] : memref<320000xi32, #tpu.memory_space<hbm>> -> memref<10000xi32, #tpu.memory_space<hbm>>
      tpu.wait_dma2 semaphore(%run_scoped3A : memref<!tpu.dma_semaphore, #tpu.memory_space<semaphore_mem>>) src(%dma_wait3A_49 : memref<10000xi32, #tpu.memory_space<hbm>>) dst(%arg9 : memref<10000xi32, #tpu.memory_space<vmem>>)
      tpu.yield
    }) : () -> ()
    %barrier3A = arith.constant 0 : index
    tpu.barrier barrier_id(%barrier3A)
    %eq3A = arith.constant 0 : i32
    %eq3A_6 = arith.cmpi eq, %arg0, %eq3A : i32
    %convert_element_type3A_7 = arith.extui %eq3A_6 : i1 to i32
    %cond3A_8 = arith.constant 0 : i32
    %cond3A_9 = arith.cmpi ne, %convert_element_type3A_7, %cond3A_8 : i32
    scf.if %cond3A_9 {
      %dma_start3A = arith.constant 0 : i32
      %dma_start3A_47 = arith.constant 0 : i32
      %dma_start3A_48 = arith.constant 0 : i32
      %dma_start3A_49 = arith.constant 0 : i32
      %dma_start3A_50 = tpu.memref_slice %arg10[%dma_start3A, %dma_start3A_48, %dma_start3A_49] : memref<3x80x128xf32, #tpu.memory_space<vmem>> -> memref<1x80x128xf32, #tpu.memory_space<vmem>>
      %dma_start3A_51 = tpu.memref_squeeze %dma_start3A_50 : memref<1x80x128xf32, #tpu.memory_space<vmem>> -> memref<80x128xf32, #tpu.memory_space<vmem>>
      %dma_start3A_52 = arith.constant 0 : i32
      %dma_start3A_53 = tpu.memref_slice %arg8[%dma_start3A_52] : memref<10000xi32, #tpu.memory_space<vmem>> -> memref<80xi32, #tpu.memory_space<vmem>>
      %dma_start3A_54 = arith.constant 0 : i32
      %dma_start3A_55 = arith.constant 0 : i32
      %dma_start3A_56 = tpu.memref_slice %arg3[%dma_start3A_54, %dma_start3A_55] : memref<10000x128xf32, #tpu.memory_space<hbm>> -> memref<10000x128xf32, #tpu.memory_space<hbm>>
      %dma_start3A_57 = tpu.memref_slice %arg11[%dma_start3A_47] : memref<3x!tpu.dma_semaphore, #tpu.memory_space<semaphore_mem>> -> memref<1x!tpu.dma_semaphore, #tpu.memory_space<semaphore_mem>>
      %dma_start3A_58 = tpu.memref_squeeze %dma_start3A_57 : memref<1x!tpu.dma_semaphore, #tpu.memory_space<semaphore_mem>> -> memref<!tpu.dma_semaphore, #tpu.memory_space<semaphore_mem>>
      tpu.enqueue_indirect_dma source(%dma_start3A_56 : memref<10000x128xf32, #tpu.memory_space<hbm>>) target(%dma_start3A_51 : memref<80x128xf32, #tpu.memory_space<vmem>>) offsets(%dma_start3A_53 : memref<80xi32, #tpu.memory_space<vmem>>) semaphore(%dma_start3A_58 : memref<!tpu.dma_semaphore, #tpu.memory_space<semaphore_mem>>)
    } else {
    }
    %eq3A_10 = arith.constant 1 : i32
    %eq3A_11 = arith.cmpi eq, %arg0, %eq3A_10 : i32
    %convert_element_type3A_12 = arith.extui %eq3A_11 : i1 to i32
    %cond3A_13 = arith.constant 0 : i32
    %cond3A_14 = arith.cmpi ne, %convert_element_type3A_12, %cond3A_13 : i32
    scf.if %cond3A_14 {
      %dma_start3A = arith.constant 0 : i32
      %dma_start3A_47 = arith.constant 0 : i32
      %dma_start3A_48 = arith.constant 0 : i32
      %dma_start3A_49 = arith.constant 0 : i32
      %dma_start3A_50 = tpu.memref_slice %arg10[%dma_start3A, %dma_start3A_48, %dma_start3A_49] : memref<3x80x128xf32, #tpu.memory_space<vmem>> -> memref<1x80x128xf32, #tpu.memory_space<vmem>>
      %dma_start3A_51 = tpu.memref_squeeze %dma_start3A_50 : memref<1x80x128xf32, #tpu.memory_space<vmem>> -> memref<80x128xf32, #tpu.memory_space<vmem>>
      %dma_start3A_52 = arith.constant 0 : i32
      %dma_start3A_53 = tpu.memref_slice %arg8[%dma_start3A_52] : memref<10000xi32, #tpu.memory_space<vmem>> -> memref<80xi32, #tpu.memory_space<vmem>>
      %dma_start3A_54 = arith.constant 0 : i32
      %dma_start3A_55 = arith.constant 0 : i32
      %dma_start3A_56 = tpu.memref_slice %arg4[%dma_start3A_54, %dma_start3A_55] : memref<10000x128xf32, #tpu.memory_space<hbm>> -> memref<10000x128xf32, #tpu.memory_space<hbm>>
      %dma_start3A_57 = tpu.memref_slice %arg11[%dma_start3A_47] : memref<3x!tpu.dma_semaphore, #tpu.memory_space<semaphore_mem>> -> memref<1x!tpu.dma_semaphore, #tpu.memory_space<semaphore_mem>>
      %dma_start3A_58 = tpu.memref_squeeze %dma_start3A_57 : memref<1x!tpu.dma_semaphore, #tpu.memory_space<semaphore_mem>> -> memref<!tpu.dma_semaphore, #tpu.memory_space<semaphore_mem>>
      tpu.enqueue_indirect_dma source(%dma_start3A_56 : memref<10000x128xf32, #tpu.memory_space<hbm>>) target(%dma_start3A_51 : memref<80x128xf32, #tpu.memory_space<vmem>>) offsets(%dma_start3A_53 : memref<80xi32, #tpu.memory_space<vmem>>) semaphore(%dma_start3A_58 : memref<!tpu.dma_semaphore, #tpu.memory_space<semaphore_mem>>)
    } else {
    }
    %eq3A_15 = arith.constant 0 : i32
    %eq3A_16 = arith.cmpi eq, %arg0, %eq3A_15 : i32
    %convert_element_type3A_17 = arith.extui %eq3A_16 : i1 to i32
    %cond3A_18 = arith.constant 0 : i32
    %cond3A_19 = arith.cmpi ne, %convert_element_type3A_17, %cond3A_18 : i32
    scf.if %cond3A_19 {
      %dma_start3A = arith.constant 1 : i32
      %dma_start3A_47 = arith.constant 1 : i32
      %dma_start3A_48 = arith.constant 0 : i32
      %dma_start3A_49 = arith.constant 0 : i32
      %dma_start3A_50 = tpu.memref_slice %arg10[%dma_start3A, %dma_start3A_48, %dma_start3A_49] : memref<3x80x128xf32, #tpu.memory_space<vmem>> -> memref<1x80x128xf32, #tpu.memory_space<vmem>>
      %dma_start3A_51 = tpu.memref_squeeze %dma_start3A_50 : memref<1x80x128xf32, #tpu.memory_space<vmem>> -> memref<80x128xf32, #tpu.memory_space<vmem>>
      %dma_start3A_52 = arith.constant 80 : i32
      %dma_start3A_53 = tpu.memref_slice %arg8[%dma_start3A_52] : memref<10000xi32, #tpu.memory_space<vmem>> -> memref<80xi32, #tpu.memory_space<vmem>>
      %dma_start3A_54 = arith.constant 0 : i32
      %dma_start3A_55 = arith.constant 0 : i32
      %dma_start3A_56 = tpu.memref_slice %arg3[%dma_start3A_54, %dma_start3A_55] : memref<10000x128xf32, #tpu.memory_space<hbm>> -> memref<10000x128xf32, #tpu.memory_space<hbm>>
      %dma_start3A_57 = tpu.memref_slice %arg11[%dma_start3A_47] : memref<3x!tpu.dma_semaphore, #tpu.memory_space<semaphore_mem>> -> memref<1x!tpu.dma_semaphore, #tpu.memory_space<semaphore_mem>>
      %dma_start3A_58 = tpu.memref_squeeze %dma_start3A_57 : memref<1x!tpu.dma_semaphore, #tpu.memory_space<semaphore_mem>> -> memref<!tpu.dma_semaphore, #tpu.memory_space<semaphore_mem>>
      tpu.enqueue_indirect_dma source(%dma_start3A_56 : memref<10000x128xf32, #tpu.memory_space<hbm>>) target(%dma_start3A_51 : memref<80x128xf32, #tpu.memory_space<vmem>>) offsets(%dma_start3A_53 : memref<80xi32, #tpu.memory_space<vmem>>) semaphore(%dma_start3A_58 : memref<!tpu.dma_semaphore, #tpu.memory_space<semaphore_mem>>)
    } else {
    }
    %eq3A_20 = arith.constant 1 : i32
    %eq3A_21 = arith.cmpi eq, %arg0, %eq3A_20 : i32
    %convert_element_type3A_22 = arith.extui %eq3A_21 : i1 to i32
    %cond3A_23 = arith.constant 0 : i32
    %cond3A_24 = arith.cmpi ne, %convert_element_type3A_22, %cond3A_23 : i32
    scf.if %cond3A_24 {
      %dma_start3A = arith.constant 1 : i32
      %dma_start3A_47 = arith.constant 1 : i32
      %dma_start3A_48 = arith.constant 0 : i32
      %dma_start3A_49 = arith.constant 0 : i32
      %dma_start3A_50 = tpu.memref_slice %arg10[%dma_start3A, %dma_start3A_48, %dma_start3A_49] : memref<3x80x128xf32, #tpu.memory_space<vmem>> -> memref<1x80x128xf32, #tpu.memory_space<vmem>>
      %dma_start3A_51 = tpu.memref_squeeze %dma_start3A_50 : memref<1x80x128xf32, #tpu.memory_space<vmem>> -> memref<80x128xf32, #tpu.memory_space<vmem>>
      %dma_start3A_52 = arith.constant 80 : i32
      %dma_start3A_53 = tpu.memref_slice %arg8[%dma_start3A_52] : memref<10000xi32, #tpu.memory_space<vmem>> -> memref<80xi32, #tpu.memory_space<vmem>>
      %dma_start3A_54 = arith.constant 0 : i32
      %dma_start3A_55 = arith.constant 0 : i32
      %dma_start3A_56 = tpu.memref_slice %arg4[%dma_start3A_54, %dma_start3A_55] : memref<10000x128xf32, #tpu.memory_space<hbm>> -> memref<10000x128xf32, #tpu.memory_space<hbm>>
      %dma_start3A_57 = tpu.memref_slice %arg11[%dma_start3A_47] : memref<3x!tpu.dma_semaphore, #tpu.memory_space<semaphore_mem>> -> memref<1x!tpu.dma_semaphore, #tpu.memory_space<semaphore_mem>>
      %dma_start3A_58 = tpu.memref_squeeze %dma_start3A_57 : memref<1x!tpu.dma_semaphore, #tpu.memory_space<semaphore_mem>> -> memref<!tpu.dma_semaphore, #tpu.memory_space<semaphore_mem>>
      tpu.enqueue_indirect_dma source(%dma_start3A_56 : memref<10000x128xf32, #tpu.memory_space<hbm>>) target(%dma_start3A_51 : memref<80x128xf32, #tpu.memory_space<vmem>>) offsets(%dma_start3A_53 : memref<80xi32, #tpu.memory_space<vmem>>) semaphore(%dma_start3A_58 : memref<!tpu.dma_semaphore, #tpu.memory_space<semaphore_mem>>)
    } else {
    }
    %scan3A = arith.constant 0 : i32
    %scan3A_25 = arith.constant 42 : i32
    %scan3A_26 = arith.addi %scan3A, %scan3A_25 : i32
    %scan3A_27 = arith.constant 1 : i32
    scf.for %scan3A_47 = %scan3A to %scan3A_26 step %scan3A_27  : i32 {
      %mul3A_48 = arith.constant 3 : i32
      %mul3A_49 = arith.muli %scan3A_47, %mul3A_48 : i32
      %add3A_50 = arith.constant 0 : i32
      %add3A_51 = arith.addi %add3A_50, %mul3A_49 : i32
      %add3A_52 = arith.constant 0 : i32
      %add3A_53 = arith.addi %add3A_51, %add3A_52 : i32
      %lt3A_54 = arith.constant 125 : i32
      %lt3A_55 = arith.cmpi slt, %add3A_53, %lt3A_54 : i32
      %convert_element_type3A_56 = arith.extui %lt3A_55 : i1 to i32
      %cond3A_57 = arith.constant 0 : i32
      %cond3A_58 = arith.cmpi ne, %convert_element_type3A_56, %cond3A_57 : i32
      scf.if %cond3A_58 {
        %ge3A = arith.constant 1 : i32
        %ge3A_73 = arith.cmpi sge, %add3A_53, %ge3A : i32
        %convert_element_type3A_74 = arith.extui %ge3A_73 : i1 to i32
        %cond3A_75 = arith.constant 0 : i32
        %cond3A_76 = arith.cmpi ne, %convert_element_type3A_74, %cond3A_75 : i32
        scf.if %cond3A_76 {
          %sub3A = arith.constant 1 : i32
          %sub3A_111 = arith.subi %add3A_53, %sub3A : i32
          %mul3A_112 = arith.constant 80 : i32
          %mul3A_113 = arith.muli %sub3A_111, %mul3A_112 : i32
          %dma_wait3A_114 = arith.constant 2 : i32
          %dma_wait3A_115 = arith.constant 2 : i32
          %dma_wait3A_116 = arith.constant 0 : i32
          %dma_wait3A_117 = arith.constant 0 : i32
          %dma_wait3A_118 = tpu.memref_slice %arg10[%dma_wait3A_114, %dma_wait3A_116, %dma_wait3A_117] : memref<3x80x128xf32, #tpu.memory_space<vmem>> -> memref<1x80x128xf32, #tpu.memory_space<vmem>>
          %dma_wait3A_119 = tpu.memref_squeeze %dma_wait3A_118 : memref<1x80x128xf32, #tpu.memory_space<vmem>> -> memref<80x128xf32, #tpu.memory_space<vmem>>
          %dma_wait3A_120 = tpu.memref_slice %arg9[%mul3A_113] : memref<10000xi32, #tpu.memory_space<vmem>> -> memref<80xi32, #tpu.memory_space<vmem>>
          %dma_wait3A_121 = arith.constant 0 : i32
          %dma_wait3A_122 = arith.constant 0 : i32
          %dma_wait3A_123 = tpu.memref_slice %arg7[%dma_wait3A_121, %dma_wait3A_122] : memref<10000x128xf32, #tpu.memory_space<vmem_shared>> -> memref<10000x128xf32, #tpu.memory_space<vmem_shared>>
          %dma_wait3A_124 = tpu.memref_slice %arg12[%dma_wait3A_115] : memref<3x!tpu.dma_semaphore, #tpu.memory_space<semaphore_mem>> -> memref<1x!tpu.dma_semaphore, #tpu.memory_space<semaphore_mem>>
          %dma_wait3A_125 = tpu.memref_squeeze %dma_wait3A_124 : memref<1x!tpu.dma_semaphore, #tpu.memory_space<semaphore_mem>> -> memref<!tpu.dma_semaphore, #tpu.memory_space<semaphore_mem>>
          tpu.wait_indirect_dma semaphore(%dma_wait3A_125 : memref<!tpu.dma_semaphore, #tpu.memory_space<semaphore_mem>>) src(%dma_wait3A_119 : memref<80x128xf32, #tpu.memory_space<vmem>>) dst(%dma_wait3A_123 : memref<10000x128xf32, #tpu.memory_space<vmem_shared>>)
        } else {
        }
        %add3A_77 = arith.constant 2 : i32
        %add3A_78 = arith.addi %add3A_53, %add3A_77 : i32
        %lt3A_79 = arith.constant 125 : i32
        %lt3A_80 = arith.cmpi slt, %add3A_78, %lt3A_79 : i32
        %convert_element_type3A_81 = arith.extui %lt3A_80 : i1 to i32
        %cond3A_82 = arith.constant 0 : i32
        %cond3A_83 = arith.cmpi ne, %convert_element_type3A_81, %cond3A_82 : i32
        scf.if %cond3A_83 {
          %add3A_111 = arith.constant 2 : i32
          %add3A_112 = arith.addi %add3A_53, %add3A_111 : i32
          %mul3A_113 = arith.constant 80 : i32
          %mul3A_114 = arith.muli %add3A_112, %mul3A_113 : i32
          %eq3A_115 = arith.constant 0 : i32
          %eq3A_116 = arith.cmpi eq, %arg0, %eq3A_115 : i32
          %convert_element_type3A_117 = arith.extui %eq3A_116 : i1 to i32
          %cond3A_118 = arith.constant 0 : i32
          %cond3A_119 = arith.cmpi ne, %convert_element_type3A_117, %cond3A_118 : i32
          scf.if %cond3A_119 {
            %dma_start3A_125 = arith.constant 2 : i32
            %dma_start3A_126 = arith.constant 2 : i32
            %dma_start3A_127 = arith.constant 0 : i32
            %dma_start3A_128 = arith.constant 0 : i32
            %dma_start3A_129 = tpu.memref_slice %arg10[%dma_start3A_125, %dma_start3A_127, %dma_start3A_128] : memref<3x80x128xf32, #tpu.memory_space<vmem>> -> memref<1x80x128xf32, #tpu.memory_space<vmem>>
            %dma_start3A_130 = tpu.memref_squeeze %dma_start3A_129 : memref<1x80x128xf32, #tpu.memory_space<vmem>> -> memref<80x128xf32, #tpu.memory_space<vmem>>
            %dma_start3A_131 = tpu.memref_slice %arg8[%mul3A_114] : memref<10000xi32, #tpu.memory_space<vmem>> -> memref<80xi32, #tpu.memory_space<vmem>>
            %dma_start3A_132 = arith.constant 0 : i32
            %dma_start3A_133 = arith.constant 0 : i32
            %dma_start3A_134 = tpu.memref_slice %arg3[%dma_start3A_132, %dma_start3A_133] : memref<10000x128xf32, #tpu.memory_space<hbm>> -> memref<10000x128xf32, #tpu.memory_space<hbm>>
            %dma_start3A_135 = tpu.memref_slice %arg11[%dma_start3A_126] : memref<3x!tpu.dma_semaphore, #tpu.memory_space<semaphore_mem>> -> memref<1x!tpu.dma_semaphore, #tpu.memory_space<semaphore_mem>>
            %dma_start3A_136 = tpu.memref_squeeze %dma_start3A_135 : memref<1x!tpu.dma_semaphore, #tpu.memory_space<semaphore_mem>> -> memref<!tpu.dma_semaphore, #tpu.memory_space<semaphore_mem>>
            tpu.enqueue_indirect_dma source(%dma_start3A_134 : memref<10000x128xf32, #tpu.memory_space<hbm>>) target(%dma_start3A_130 : memref<80x128xf32, #tpu.memory_space<vmem>>) offsets(%dma_start3A_131 : memref<80xi32, #tpu.memory_space<vmem>>) semaphore(%dma_start3A_136 : memref<!tpu.dma_semaphore, #tpu.memory_space<semaphore_mem>>)
          } else {
          }
          %eq3A_120 = arith.constant 1 : i32
          %eq3A_121 = arith.cmpi eq, %arg0, %eq3A_120 : i32
          %convert_element_type3A_122 = arith.extui %eq3A_121 : i1 to i32
          %cond3A_123 = arith.constant 0 : i32
          %cond3A_124 = arith.cmpi ne, %convert_element_type3A_122, %cond3A_123 : i32
          scf.if %cond3A_124 {
            %dma_start3A_125 = arith.constant 2 : i32
            %dma_start3A_126 = arith.constant 2 : i32
            %dma_start3A_127 = arith.constant 0 : i32
            %dma_start3A_128 = arith.constant 0 : i32
            %dma_start3A_129 = tpu.memref_slice %arg10[%dma_start3A_125, %dma_start3A_127, %dma_start3A_128] : memref<3x80x128xf32, #tpu.memory_space<vmem>> -> memref<1x80x128xf32, #tpu.memory_space<vmem>>
            %dma_start3A_130 = tpu.memref_squeeze %dma_start3A_129 : memref<1x80x128xf32, #tpu.memory_space<vmem>> -> memref<80x128xf32, #tpu.memory_space<vmem>>
            %dma_start3A_131 = tpu.memref_slice %arg8[%mul3A_114] : memref<10000xi32, #tpu.memory_space<vmem>> -> memref<80xi32, #tpu.memory_space<vmem>>
            %dma_start3A_132 = arith.constant 0 : i32
            %dma_start3A_133 = arith.constant 0 : i32
            %dma_start3A_134 = tpu.memref_slice %arg4[%dma_start3A_132, %dma_start3A_133] : memref<10000x128xf32, #tpu.memory_space<hbm>> -> memref<10000x128xf32, #tpu.memory_space<hbm>>
            %dma_start3A_135 = tpu.memref_slice %arg11[%dma_start3A_126] : memref<3x!tpu.dma_semaphore, #tpu.memory_space<semaphore_mem>> -> memref<1x!tpu.dma_semaphore, #tpu.memory_space<semaphore_mem>>
            %dma_start3A_136 = tpu.memref_squeeze %dma_start3A_135 : memref<1x!tpu.dma_semaphore, #tpu.memory_space<semaphore_mem>> -> memref<!tpu.dma_semaphore, #tpu.memory_space<semaphore_mem>>
            tpu.enqueue_indirect_dma source(%dma_start3A_134 : memref<10000x128xf32, #tpu.memory_space<hbm>>) target(%dma_start3A_130 : memref<80x128xf32, #tpu.memory_space<vmem>>) offsets(%dma_start3A_131 : memref<80xi32, #tpu.memory_space<vmem>>) semaphore(%dma_start3A_136 : memref<!tpu.dma_semaphore, #tpu.memory_space<semaphore_mem>>)
          } else {
          }
        } else {
        }
        %mul3A_84 = arith.constant 80 : i32
        %mul3A_85 = arith.muli %add3A_53, %mul3A_84 : i32
        %dma_wait3A_86 = arith.constant 0 : i32
        %dma_wait3A_87 = arith.constant 0 : i32
        %dma_wait3A_88 = arith.constant 0 : i32
        %dma_wait3A_89 = arith.constant 0 : i32
        %dma_wait3A_90 = tpu.memref_slice %arg10[%dma_wait3A_86, %dma_wait3A_88, %dma_wait3A_89] : memref<3x80x128xf32, #tpu.memory_space<vmem>> -> memref<1x80x128xf32, #tpu.memory_space<vmem>>
        %dma_wait3A_91 = tpu.memref_squeeze %dma_wait3A_90 : memref<1x80x128xf32, #tpu.memory_space<vmem>> -> memref<80x128xf32, #tpu.memory_space<vmem>>
        %dma_wait3A_92 = tpu.memref_slice %arg8[%mul3A_85] : memref<10000xi32, #tpu.memory_space<vmem>> -> memref<80xi32, #tpu.memory_space<vmem>>
        %dma_wait3A_93 = arith.constant 0 : i32
        %dma_wait3A_94 = arith.constant 0 : i32
        %dma_wait3A_95 = tpu.memref_slice %arg3[%dma_wait3A_93, %dma_wait3A_94] : memref<10000x128xf32, #tpu.memory_space<hbm>> -> memref<10000x128xf32, #tpu.memory_space<hbm>>
        %dma_wait3A_96 = tpu.memref_slice %arg11[%dma_wait3A_87] : memref<3x!tpu.dma_semaphore, #tpu.memory_space<semaphore_mem>> -> memref<1x!tpu.dma_semaphore, #tpu.memory_space<semaphore_mem>>
        %dma_wait3A_97 = tpu.memref_squeeze %dma_wait3A_96 : memref<1x!tpu.dma_semaphore, #tpu.memory_space<semaphore_mem>> -> memref<!tpu.dma_semaphore, #tpu.memory_space<semaphore_mem>>
        tpu.wait_indirect_dma semaphore(%dma_wait3A_97 : memref<!tpu.dma_semaphore, #tpu.memory_space<semaphore_mem>>) src(%dma_wait3A_95 : memref<10000x128xf32, #tpu.memory_space<hbm>>) dst(%dma_wait3A_91 : memref<80x128xf32, #tpu.memory_space<vmem>>)
        %mul3A_98 = arith.constant 80 : i32
        %mul3A_99 = arith.muli %add3A_53, %mul3A_98 : i32
        %dma_start3A = arith.constant 0 : i32
        %dma_start3A_100 = arith.constant 0 : i32
        %dma_start3A_101 = arith.constant 0 : i32
        %dma_start3A_102 = arith.constant 0 : i32
        %dma_start3A_103 = tpu.memref_slice %arg10[%dma_start3A, %dma_start3A_101, %dma_start3A_102] : memref<3x80x128xf32, #tpu.memory_space<vmem>> -> memref<1x80x128xf32, #tpu.memory_space<vmem>>
        %dma_start3A_104 = tpu.memref_squeeze %dma_start3A_103 : memref<1x80x128xf32, #tpu.memory_space<vmem>> -> memref<80x128xf32, #tpu.memory_space<vmem>>
        %dma_start3A_105 = tpu.memref_slice %arg9[%mul3A_99] : memref<10000xi32, #tpu.memory_space<vmem>> -> memref<80xi32, #tpu.memory_space<vmem>>
        %dma_start3A_106 = arith.constant 0 : i32
        %dma_start3A_107 = arith.constant 0 : i32
        %dma_start3A_108 = tpu.memref_slice %arg7[%dma_start3A_106, %dma_start3A_107] : memref<10000x128xf32, #tpu.memory_space<vmem_shared>> -> memref<10000x128xf32, #tpu.memory_space<vmem_shared>>
        %dma_start3A_109 = tpu.memref_slice %arg12[%dma_start3A_100] : memref<3x!tpu.dma_semaphore, #tpu.memory_space<semaphore_mem>> -> memref<1x!tpu.dma_semaphore, #tpu.memory_space<semaphore_mem>>
        %dma_start3A_110 = tpu.memref_squeeze %dma_start3A_109 : memref<1x!tpu.dma_semaphore, #tpu.memory_space<semaphore_mem>> -> memref<!tpu.dma_semaphore, #tpu.memory_space<semaphore_mem>>
        tpu.enqueue_indirect_dma source(%dma_start3A_104 : memref<80x128xf32, #tpu.memory_space<vmem>>) target(%dma_start3A_108 : memref<10000x128xf32, #tpu.memory_space<vmem_shared>>) offsets(%dma_start3A_105 : memref<80xi32, #tpu.memory_space<vmem>>) semaphore(%dma_start3A_110 : memref<!tpu.dma_semaphore, #tpu.memory_space<semaphore_mem>>) {add = true}
      } else {
      }
      %add3A_59 = arith.constant 1 : i32
      %add3A_60 = arith.addi %add3A_51, %add3A_59 : i32
      %lt3A_61 = arith.constant 125 : i32
      %lt3A_62 = arith.cmpi slt, %add3A_60, %lt3A_61 : i32
      %convert_element_type3A_63 = arith.extui %lt3A_62 : i1 to i32
      %cond3A_64 = arith.constant 0 : i32
      %cond3A_65 = arith.cmpi ne, %convert_element_type3A_63, %cond3A_64 : i32
      scf.if %cond3A_65 {
        %ge3A = arith.constant 1 : i32
        %ge3A_73 = arith.cmpi sge, %add3A_60, %ge3A : i32
        %convert_element_type3A_74 = arith.extui %ge3A_73 : i1 to i32
        %cond3A_75 = arith.constant 0 : i32
        %cond3A_76 = arith.cmpi ne, %convert_element_type3A_74, %cond3A_75 : i32
        scf.if %cond3A_76 {
          %sub3A = arith.constant 1 : i32
          %sub3A_111 = arith.subi %add3A_60, %sub3A : i32
          %mul3A_112 = arith.constant 80 : i32
          %mul3A_113 = arith.muli %sub3A_111, %mul3A_112 : i32
          %dma_wait3A_114 = arith.constant 0 : i32
          %dma_wait3A_115 = arith.constant 0 : i32
          %dma_wait3A_116 = arith.constant 0 : i32
          %dma_wait3A_117 = arith.constant 0 : i32
          %dma_wait3A_118 = tpu.memref_slice %arg10[%dma_wait3A_114, %dma_wait3A_116, %dma_wait3A_117] : memref<3x80x128xf32, #tpu.memory_space<vmem>> -> memref<1x80x128xf32, #tpu.memory_space<vmem>>
          %dma_wait3A_119 = tpu.memref_squeeze %dma_wait3A_118 : memref<1x80x128xf32, #tpu.memory_space<vmem>> -> memref<80x128xf32, #tpu.memory_space<vmem>>
          %dma_wait3A_120 = tpu.memref_slice %arg9[%mul3A_113] : memref<10000xi32, #tpu.memory_space<vmem>> -> memref<80xi32, #tpu.memory_space<vmem>>
          %dma_wait3A_121 = arith.constant 0 : i32
          %dma_wait3A_122 = arith.constant 0 : i32
          %dma_wait3A_123 = tpu.memref_slice %arg7[%dma_wait3A_121, %dma_wait3A_122] : memref<10000x128xf32, #tpu.memory_space<vmem_shared>> -> memref<10000x128xf32, #tpu.memory_space<vmem_shared>>
          %dma_wait3A_124 = tpu.memref_slice %arg12[%dma_wait3A_115] : memref<3x!tpu.dma_semaphore, #tpu.memory_space<semaphore_mem>> -> memref<1x!tpu.dma_semaphore, #tpu.memory_space<semaphore_mem>>
          %dma_wait3A_125 = tpu.memref_squeeze %dma_wait3A_124 : memref<1x!tpu.dma_semaphore, #tpu.memory_space<semaphore_mem>> -> memref<!tpu.dma_semaphore, #tpu.memory_space<semaphore_mem>>
          tpu.wait_indirect_dma semaphore(%dma_wait3A_125 : memref<!tpu.dma_semaphore, #tpu.memory_space<semaphore_mem>>) src(%dma_wait3A_119 : memref<80x128xf32, #tpu.memory_space<vmem>>) dst(%dma_wait3A_123 : memref<10000x128xf32, #tpu.memory_space<vmem_shared>>)
        } else {
        }
        %add3A_77 = arith.constant 2 : i32
        %add3A_78 = arith.addi %add3A_60, %add3A_77 : i32
        %lt3A_79 = arith.constant 125 : i32
        %lt3A_80 = arith.cmpi slt, %add3A_78, %lt3A_79 : i32
        %convert_element_type3A_81 = arith.extui %lt3A_80 : i1 to i32
        %cond3A_82 = arith.constant 0 : i32
        %cond3A_83 = arith.cmpi ne, %convert_element_type3A_81, %cond3A_82 : i32
        scf.if %cond3A_83 {
          %add3A_111 = arith.constant 2 : i32
          %add3A_112 = arith.addi %add3A_60, %add3A_111 : i32
          %mul3A_113 = arith.constant 80 : i32
          %mul3A_114 = arith.muli %add3A_112, %mul3A_113 : i32
          %eq3A_115 = arith.constant 0 : i32
          %eq3A_116 = arith.cmpi eq, %arg0, %eq3A_115 : i32
          %convert_element_type3A_117 = arith.extui %eq3A_116 : i1 to i32
          %cond3A_118 = arith.constant 0 : i32
          %cond3A_119 = arith.cmpi ne, %convert_element_type3A_117, %cond3A_118 : i32
          scf.if %cond3A_119 {
            %dma_start3A_125 = arith.constant 0 : i32
            %dma_start3A_126 = arith.constant 0 : i32
            %dma_start3A_127 = arith.constant 0 : i32
            %dma_start3A_128 = arith.constant 0 : i32
            %dma_start3A_129 = tpu.memref_slice %arg10[%dma_start3A_125, %dma_start3A_127, %dma_start3A_128] : memref<3x80x128xf32, #tpu.memory_space<vmem>> -> memref<1x80x128xf32, #tpu.memory_space<vmem>>
            %dma_start3A_130 = tpu.memref_squeeze %dma_start3A_129 : memref<1x80x128xf32, #tpu.memory_space<vmem>> -> memref<80x128xf32, #tpu.memory_space<vmem>>
            %dma_start3A_131 = tpu.memref_slice %arg8[%mul3A_114] : memref<10000xi32, #tpu.memory_space<vmem>> -> memref<80xi32, #tpu.memory_space<vmem>>
            %dma_start3A_132 = arith.constant 0 : i32
            %dma_start3A_133 = arith.constant 0 : i32
            %dma_start3A_134 = tpu.memref_slice %arg3[%dma_start3A_132, %dma_start3A_133] : memref<10000x128xf32, #tpu.memory_space<hbm>> -> memref<10000x128xf32, #tpu.memory_space<hbm>>
            %dma_start3A_135 = tpu.memref_slice %arg11[%dma_start3A_126] : memref<3x!tpu.dma_semaphore, #tpu.memory_space<semaphore_mem>> -> memref<1x!tpu.dma_semaphore, #tpu.memory_space<semaphore_mem>>
            %dma_start3A_136 = tpu.memref_squeeze %dma_start3A_135 : memref<1x!tpu.dma_semaphore, #tpu.memory_space<semaphore_mem>> -> memref<!tpu.dma_semaphore, #tpu.memory_space<semaphore_mem>>
            tpu.enqueue_indirect_dma source(%dma_start3A_134 : memref<10000x128xf32, #tpu.memory_space<hbm>>) target(%dma_start3A_130 : memref<80x128xf32, #tpu.memory_space<vmem>>) offsets(%dma_start3A_131 : memref<80xi32, #tpu.memory_space<vmem>>) semaphore(%dma_start3A_136 : memref<!tpu.dma_semaphore, #tpu.memory_space<semaphore_mem>>)
          } else {
          }
          %eq3A_120 = arith.constant 1 : i32
          %eq3A_121 = arith.cmpi eq, %arg0, %eq3A_120 : i32
          %convert_element_type3A_122 = arith.extui %eq3A_121 : i1 to i32
          %cond3A_123 = arith.constant 0 : i32
          %cond3A_124 = arith.cmpi ne, %convert_element_type3A_122, %cond3A_123 : i32
          scf.if %cond3A_124 {
            %dma_start3A_125 = arith.constant 0 : i32
            %dma_start3A_126 = arith.constant 0 : i32
            %dma_start3A_127 = arith.constant 0 : i32
            %dma_start3A_128 = arith.constant 0 : i32
            %dma_start3A_129 = tpu.memref_slice %arg10[%dma_start3A_125, %dma_start3A_127, %dma_start3A_128] : memref<3x80x128xf32, #tpu.memory_space<vmem>> -> memref<1x80x128xf32, #tpu.memory_space<vmem>>
            %dma_start3A_130 = tpu.memref_squeeze %dma_start3A_129 : memref<1x80x128xf32, #tpu.memory_space<vmem>> -> memref<80x128xf32, #tpu.memory_space<vmem>>
            %dma_start3A_131 = tpu.memref_slice %arg8[%mul3A_114] : memref<10000xi32, #tpu.memory_space<vmem>> -> memref<80xi32, #tpu.memory_space<vmem>>
            %dma_start3A_132 = arith.constant 0 : i32
            %dma_start3A_133 = arith.constant 0 : i32
            %dma_start3A_134 = tpu.memref_slice %arg4[%dma_start3A_132, %dma_start3A_133] : memref<10000x128xf32, #tpu.memory_space<hbm>> -> memref<10000x128xf32, #tpu.memory_space<hbm>>
            %dma_start3A_135 = tpu.memref_slice %arg11[%dma_start3A_126] : memref<3x!tpu.dma_semaphore, #tpu.memory_space<semaphore_mem>> -> memref<1x!tpu.dma_semaphore, #tpu.memory_space<semaphore_mem>>
            %dma_start3A_136 = tpu.memref_squeeze %dma_start3A_135 : memref<1x!tpu.dma_semaphore, #tpu.memory_space<semaphore_mem>> -> memref<!tpu.dma_semaphore, #tpu.memory_space<semaphore_mem>>
            tpu.enqueue_indirect_dma source(%dma_start3A_134 : memref<10000x128xf32, #tpu.memory_space<hbm>>) target(%dma_start3A_130 : memref<80x128xf32, #tpu.memory_space<vmem>>) offsets(%dma_start3A_131 : memref<80xi32, #tpu.memory_space<vmem>>) semaphore(%dma_start3A_136 : memref<!tpu.dma_semaphore, #tpu.memory_space<semaphore_mem>>)
          } else {
          }
        } else {
        }
        %mul3A_84 = arith.constant 80 : i32
        %mul3A_85 = arith.muli %add3A_60, %mul3A_84 : i32
        %dma_wait3A_86 = arith.constant 1 : i32
        %dma_wait3A_87 = arith.constant 1 : i32
        %dma_wait3A_88 = arith.constant 0 : i32
        %dma_wait3A_89 = arith.constant 0 : i32
        %dma_wait3A_90 = tpu.memref_slice %arg10[%dma_wait3A_86, %dma_wait3A_88, %dma_wait3A_89] : memref<3x80x128xf32, #tpu.memory_space<vmem>> -> memref<1x80x128xf32, #tpu.memory_space<vmem>>
        %dma_wait3A_91 = tpu.memref_squeeze %dma_wait3A_90 : memref<1x80x128xf32, #tpu.memory_space<vmem>> -> memref<80x128xf32, #tpu.memory_space<vmem>>
        %dma_wait3A_92 = tpu.memref_slice %arg8[%mul3A_85] : memref<10000xi32, #tpu.memory_space<vmem>> -> memref<80xi32, #tpu.memory_space<vmem>>
        %dma_wait3A_93 = arith.constant 0 : i32
        %dma_wait3A_94 = arith.constant 0 : i32
        %dma_wait3A_95 = tpu.memref_slice %arg3[%dma_wait3A_93, %dma_wait3A_94] : memref<10000x128xf32, #tpu.memory_space<hbm>> -> memref<10000x128xf32, #tpu.memory_space<hbm>>
        %dma_wait3A_96 = tpu.memref_slice %arg11[%dma_wait3A_87] : memref<3x!tpu.dma_semaphore, #tpu.memory_space<semaphore_mem>> -> memref<1x!tpu.dma_semaphore, #tpu.memory_space<semaphore_mem>>
        %dma_wait3A_97 = tpu.memref_squeeze %dma_wait3A_96 : memref<1x!tpu.dma_semaphore, #tpu.memory_space<semaphore_mem>> -> memref<!tpu.dma_semaphore, #tpu.memory_space<semaphore_mem>>
        tpu.wait_indirect_dma semaphore(%dma_wait3A_97 : memref<!tpu.dma_semaphore, #tpu.memory_space<semaphore_mem>>) src(%dma_wait3A_95 : memref<10000x128xf32, #tpu.memory_space<hbm>>) dst(%dma_wait3A_91 : memref<80x128xf32, #tpu.memory_space<vmem>>)
        %mul3A_98 = arith.constant 80 : i32
        %mul3A_99 = arith.muli %add3A_60, %mul3A_98 : i32
        %dma_start3A = arith.constant 1 : i32
        %dma_start3A_100 = arith.constant 1 : i32
        %dma_start3A_101 = arith.constant 0 : i32
        %dma_start3A_102 = arith.constant 0 : i32
        %dma_start3A_103 = tpu.memref_slice %arg10[%dma_start3A, %dma_start3A_101, %dma_start3A_102] : memref<3x80x128xf32, #tpu.memory_space<vmem>> -> memref<1x80x128xf32, #tpu.memory_space<vmem>>
        %dma_start3A_104 = tpu.memref_squeeze %dma_start3A_103 : memref<1x80x128xf32, #tpu.memory_space<vmem>> -> memref<80x128xf32, #tpu.memory_space<vmem>>
        %dma_start3A_105 = tpu.memref_slice %arg9[%mul3A_99] : memref<10000xi32, #tpu.memory_space<vmem>> -> memref<80xi32, #tpu.memory_space<vmem>>
        %dma_start3A_106 = arith.constant 0 : i32
        %dma_start3A_107 = arith.constant 0 : i32
        %dma_start3A_108 = tpu.memref_slice %arg7[%dma_start3A_106, %dma_start3A_107] : memref<10000x128xf32, #tpu.memory_space<vmem_shared>> -> memref<10000x128xf32, #tpu.memory_space<vmem_shared>>
        %dma_start3A_109 = tpu.memref_slice %arg12[%dma_start3A_100] : memref<3x!tpu.dma_semaphore, #tpu.memory_space<semaphore_mem>> -> memref<1x!tpu.dma_semaphore, #tpu.memory_space<semaphore_mem>>
        %dma_start3A_110 = tpu.memref_squeeze %dma_start3A_109 : memref<1x!tpu.dma_semaphore, #tpu.memory_space<semaphore_mem>> -> memref<!tpu.dma_semaphore, #tpu.memory_space<semaphore_mem>>
        tpu.enqueue_indirect_dma source(%dma_start3A_104 : memref<80x128xf32, #tpu.memory_space<vmem>>) target(%dma_start3A_108 : memref<10000x128xf32, #tpu.memory_space<vmem_shared>>) offsets(%dma_start3A_105 : memref<80xi32, #tpu.memory_space<vmem>>) semaphore(%dma_start3A_110 : memref<!tpu.dma_semaphore, #tpu.memory_space<semaphore_mem>>) {add = true}
      } else {
      }
      %add3A_66 = arith.constant 2 : i32
      %add3A_67 = arith.addi %add3A_51, %add3A_66 : i32
      %lt3A_68 = arith.constant 125 : i32
      %lt3A_69 = arith.cmpi slt, %add3A_67, %lt3A_68 : i32
      %convert_element_type3A_70 = arith.extui %lt3A_69 : i1 to i32
      %cond3A_71 = arith.constant 0 : i32
      %cond3A_72 = arith.cmpi ne, %convert_element_type3A_70, %cond3A_71 : i32
      scf.if %cond3A_72 {
        %ge3A = arith.constant 1 : i32
        %ge3A_73 = arith.cmpi sge, %add3A_67, %ge3A : i32
        %convert_element_type3A_74 = arith.extui %ge3A_73 : i1 to i32
        %cond3A_75 = arith.constant 0 : i32
        %cond3A_76 = arith.cmpi ne, %convert_element_type3A_74, %cond3A_75 : i32
        scf.if %cond3A_76 {
          %sub3A = arith.constant 1 : i32
          %sub3A_111 = arith.subi %add3A_67, %sub3A : i32
          %mul3A_112 = arith.constant 80 : i32
          %mul3A_113 = arith.muli %sub3A_111, %mul3A_112 : i32
          %dma_wait3A_114 = arith.constant 1 : i32
          %dma_wait3A_115 = arith.constant 1 : i32
          %dma_wait3A_116 = arith.constant 0 : i32
          %dma_wait3A_117 = arith.constant 0 : i32
          %dma_wait3A_118 = tpu.memref_slice %arg10[%dma_wait3A_114, %dma_wait3A_116, %dma_wait3A_117] : memref<3x80x128xf32, #tpu.memory_space<vmem>> -> memref<1x80x128xf32, #tpu.memory_space<vmem>>
          %dma_wait3A_119 = tpu.memref_squeeze %dma_wait3A_118 : memref<1x80x128xf32, #tpu.memory_space<vmem>> -> memref<80x128xf32, #tpu.memory_space<vmem>>
          %dma_wait3A_120 = tpu.memref_slice %arg9[%mul3A_113] : memref<10000xi32, #tpu.memory_space<vmem>> -> memref<80xi32, #tpu.memory_space<vmem>>
          %dma_wait3A_121 = arith.constant 0 : i32
          %dma_wait3A_122 = arith.constant 0 : i32
          %dma_wait3A_123 = tpu.memref_slice %arg7[%dma_wait3A_121, %dma_wait3A_122] : memref<10000x128xf32, #tpu.memory_space<vmem_shared>> -> memref<10000x128xf32, #tpu.memory_space<vmem_shared>>
          %dma_wait3A_124 = tpu.memref_slice %arg12[%dma_wait3A_115] : memref<3x!tpu.dma_semaphore, #tpu.memory_space<semaphore_mem>> -> memref<1x!tpu.dma_semaphore, #tpu.memory_space<semaphore_mem>>
          %dma_wait3A_125 = tpu.memref_squeeze %dma_wait3A_124 : memref<1x!tpu.dma_semaphore, #tpu.memory_space<semaphore_mem>> -> memref<!tpu.dma_semaphore, #tpu.memory_space<semaphore_mem>>
          tpu.wait_indirect_dma semaphore(%dma_wait3A_125 : memref<!tpu.dma_semaphore, #tpu.memory_space<semaphore_mem>>) src(%dma_wait3A_119 : memref<80x128xf32, #tpu.memory_space<vmem>>) dst(%dma_wait3A_123 : memref<10000x128xf32, #tpu.memory_space<vmem_shared>>)
        } else {
        }
        %add3A_77 = arith.constant 2 : i32
        %add3A_78 = arith.addi %add3A_67, %add3A_77 : i32
        %lt3A_79 = arith.constant 125 : i32
        %lt3A_80 = arith.cmpi slt, %add3A_78, %lt3A_79 : i32
        %convert_element_type3A_81 = arith.extui %lt3A_80 : i1 to i32
        %cond3A_82 = arith.constant 0 : i32
        %cond3A_83 = arith.cmpi ne, %convert_element_type3A_81, %cond3A_82 : i32
        scf.if %cond3A_83 {
          %add3A_111 = arith.constant 2 : i32
          %add3A_112 = arith.addi %add3A_67, %add3A_111 : i32
          %mul3A_113 = arith.constant 80 : i32
          %mul3A_114 = arith.muli %add3A_112, %mul3A_113 : i32
          %eq3A_115 = arith.constant 0 : i32
          %eq3A_116 = arith.cmpi eq, %arg0, %eq3A_115 : i32
          %convert_element_type3A_117 = arith.extui %eq3A_116 : i1 to i32
          %cond3A_118 = arith.constant 0 : i32
          %cond3A_119 = arith.cmpi ne, %convert_element_type3A_117, %cond3A_118 : i32
          scf.if %cond3A_119 {
            %dma_start3A_125 = arith.constant 1 : i32
            %dma_start3A_126 = arith.constant 1 : i32
            %dma_start3A_127 = arith.constant 0 : i32
            %dma_start3A_128 = arith.constant 0 : i32
            %dma_start3A_129 = tpu.memref_slice %arg10[%dma_start3A_125, %dma_start3A_127, %dma_start3A_128] : memref<3x80x128xf32, #tpu.memory_space<vmem>> -> memref<1x80x128xf32, #tpu.memory_space<vmem>>
            %dma_start3A_130 = tpu.memref_squeeze %dma_start3A_129 : memref<1x80x128xf32, #tpu.memory_space<vmem>> -> memref<80x128xf32, #tpu.memory_space<vmem>>
            %dma_start3A_131 = tpu.memref_slice %arg8[%mul3A_114] : memref<10000xi32, #tpu.memory_space<vmem>> -> memref<80xi32, #tpu.memory_space<vmem>>
            %dma_start3A_132 = arith.constant 0 : i32
            %dma_start3A_133 = arith.constant 0 : i32
            %dma_start3A_134 = tpu.memref_slice %arg3[%dma_start3A_132, %dma_start3A_133] : memref<10000x128xf32, #tpu.memory_space<hbm>> -> memref<10000x128xf32, #tpu.memory_space<hbm>>
            %dma_start3A_135 = tpu.memref_slice %arg11[%dma_start3A_126] : memref<3x!tpu.dma_semaphore, #tpu.memory_space<semaphore_mem>> -> memref<1x!tpu.dma_semaphore, #tpu.memory_space<semaphore_mem>>
            %dma_start3A_136 = tpu.memref_squeeze %dma_start3A_135 : memref<1x!tpu.dma_semaphore, #tpu.memory_space<semaphore_mem>> -> memref<!tpu.dma_semaphore, #tpu.memory_space<semaphore_mem>>
            tpu.enqueue_indirect_dma source(%dma_start3A_134 : memref<10000x128xf32, #tpu.memory_space<hbm>>) target(%dma_start3A_130 : memref<80x128xf32, #tpu.memory_space<vmem>>) offsets(%dma_start3A_131 : memref<80xi32, #tpu.memory_space<vmem>>) semaphore(%dma_start3A_136 : memref<!tpu.dma_semaphore, #tpu.memory_space<semaphore_mem>>)
          } else {
          }
          %eq3A_120 = arith.constant 1 : i32
          %eq3A_121 = arith.cmpi eq, %arg0, %eq3A_120 : i32
          %convert_element_type3A_122 = arith.extui %eq3A_121 : i1 to i32
          %cond3A_123 = arith.constant 0 : i32
          %cond3A_124 = arith.cmpi ne, %convert_element_type3A_122, %cond3A_123 : i32
          scf.if %cond3A_124 {
            %dma_start3A_125 = arith.constant 1 : i32
            %dma_start3A_126 = arith.constant 1 : i32
            %dma_start3A_127 = arith.constant 0 : i32
            %dma_start3A_128 = arith.constant 0 : i32
            %dma_start3A_129 = tpu.memref_slice %arg10[%dma_start3A_125, %dma_start3A_127, %dma_start3A_128] : memref<3x80x128xf32, #tpu.memory_space<vmem>> -> memref<1x80x128xf32, #tpu.memory_space<vmem>>
            %dma_start3A_130 = tpu.memref_squeeze %dma_start3A_129 : memref<1x80x128xf32, #tpu.memory_space<vmem>> -> memref<80x128xf32, #tpu.memory_space<vmem>>
            %dma_start3A_131 = tpu.memref_slice %arg8[%mul3A_114] : memref<10000xi32, #tpu.memory_space<vmem>> -> memref<80xi32, #tpu.memory_space<vmem>>
            %dma_start3A_132 = arith.constant 0 : i32
            %dma_start3A_133 = arith.constant 0 : i32
            %dma_start3A_134 = tpu.memref_slice %arg4[%dma_start3A_132, %dma_start3A_133] : memref<10000x128xf32, #tpu.memory_space<hbm>> -> memref<10000x128xf32, #tpu.memory_space<hbm>>
            %dma_start3A_135 = tpu.memref_slice %arg11[%dma_start3A_126] : memref<3x!tpu.dma_semaphore, #tpu.memory_space<semaphore_mem>> -> memref<1x!tpu.dma_semaphore, #tpu.memory_space<semaphore_mem>>
            %dma_start3A_136 = tpu.memref_squeeze %dma_start3A_135 : memref<1x!tpu.dma_semaphore, #tpu.memory_space<semaphore_mem>> -> memref<!tpu.dma_semaphore, #tpu.memory_space<semaphore_mem>>
            tpu.enqueue_indirect_dma source(%dma_start3A_134 : memref<10000x128xf32, #tpu.memory_space<hbm>>) target(%dma_start3A_130 : memref<80x128xf32, #tpu.memory_space<vmem>>) offsets(%dma_start3A_131 : memref<80xi32, #tpu.memory_space<vmem>>) semaphore(%dma_start3A_136 : memref<!tpu.dma_semaphore, #tpu.memory_space<semaphore_mem>>)
          } else {
          }
        } else {
        }
        %mul3A_84 = arith.constant 80 : i32
        %mul3A_85 = arith.muli %add3A_67, %mul3A_84 : i32
        %dma_wait3A_86 = arith.constant 2 : i32
        %dma_wait3A_87 = arith.constant 2 : i32
        %dma_wait3A_88 = arith.constant 0 : i32
        %dma_wait3A_89 = arith.constant 0 : i32
        %dma_wait3A_90 = tpu.memref_slice %arg10[%dma_wait3A_86, %dma_wait3A_88, %dma_wait3A_89] : memref<3x80x128xf32, #tpu.memory_space<vmem>> -> memref<1x80x128xf32, #tpu.memory_space<vmem>>
        %dma_wait3A_91 = tpu.memref_squeeze %dma_wait3A_90 : memref<1x80x128xf32, #tpu.memory_space<vmem>> -> memref<80x128xf32, #tpu.memory_space<vmem>>
        %dma_wait3A_92 = tpu.memref_slice %arg8[%mul3A_85] : memref<10000xi32, #tpu.memory_space<vmem>> -> memref<80xi32, #tpu.memory_space<vmem>>
        %dma_wait3A_93 = arith.constant 0 : i32
        %dma_wait3A_94 = arith.constant 0 : i32
        %dma_wait3A_95 = tpu.memref_slice %arg3[%dma_wait3A_93, %dma_wait3A_94] : memref<10000x128xf32, #tpu.memory_space<hbm>> -> memref<10000x128xf32, #tpu.memory_space<hbm>>
        %dma_wait3A_96 = tpu.memref_slice %arg11[%dma_wait3A_87] : memref<3x!tpu.dma_semaphore, #tpu.memory_space<semaphore_mem>> -> memref<1x!tpu.dma_semaphore, #tpu.memory_space<semaphore_mem>>
        %dma_wait3A_97 = tpu.memref_squeeze %dma_wait3A_96 : memref<1x!tpu.dma_semaphore, #tpu.memory_space<semaphore_mem>> -> memref<!tpu.dma_semaphore, #tpu.memory_space<semaphore_mem>>
        tpu.wait_indirect_dma semaphore(%dma_wait3A_97 : memref<!tpu.dma_semaphore, #tpu.memory_space<semaphore_mem>>) src(%dma_wait3A_95 : memref<10000x128xf32, #tpu.memory_space<hbm>>) dst(%dma_wait3A_91 : memref<80x128xf32, #tpu.memory_space<vmem>>)
        %mul3A_98 = arith.constant 80 : i32
        %mul3A_99 = arith.muli %add3A_67, %mul3A_98 : i32
        %dma_start3A = arith.constant 2 : i32
        %dma_start3A_100 = arith.constant 2 : i32
        %dma_start3A_101 = arith.constant 0 : i32
        %dma_start3A_102 = arith.constant 0 : i32
        %dma_start3A_103 = tpu.memref_slice %arg10[%dma_start3A, %dma_start3A_101, %dma_start3A_102] : memref<3x80x128xf32, #tpu.memory_space<vmem>> -> memref<1x80x128xf32, #tpu.memory_space<vmem>>
        %dma_start3A_104 = tpu.memref_squeeze %dma_start3A_103 : memref<1x80x128xf32, #tpu.memory_space<vmem>> -> memref<80x128xf32, #tpu.memory_space<vmem>>
        %dma_start3A_105 = tpu.memref_slice %arg9[%mul3A_99] : memref<10000xi32, #tpu.memory_space<vmem>> -> memref<80xi32, #tpu.memory_space<vmem>>
        %dma_start3A_106 = arith.constant 0 : i32
        %dma_start3A_107 = arith.constant 0 : i32
        %dma_start3A_108 = tpu.memref_slice %arg7[%dma_start3A_106, %dma_start3A_107] : memref<10000x128xf32, #tpu.memory_space<vmem_shared>> -> memref<10000x128xf32, #tpu.memory_space<vmem_shared>>
        %dma_start3A_109 = tpu.memref_slice %arg12[%dma_start3A_100] : memref<3x!tpu.dma_semaphore, #tpu.memory_space<semaphore_mem>> -> memref<1x!tpu.dma_semaphore, #tpu.memory_space<semaphore_mem>>
        %dma_start3A_110 = tpu.memref_squeeze %dma_start3A_109 : memref<1x!tpu.dma_semaphore, #tpu.memory_space<semaphore_mem>> -> memref<!tpu.dma_semaphore, #tpu.memory_space<semaphore_mem>>
        tpu.enqueue_indirect_dma source(%dma_start3A_104 : memref<80x128xf32, #tpu.memory_space<vmem>>) target(%dma_start3A_108 : memref<10000x128xf32, #tpu.memory_space<vmem_shared>>) offsets(%dma_start3A_105 : memref<80xi32, #tpu.memory_space<vmem>>) semaphore(%dma_start3A_110 : memref<!tpu.dma_semaphore, #tpu.memory_space<semaphore_mem>>) {add = true}
      } else {
      }
    }
    %scan3A_28 = arith.constant 42 : i32
    %dma_wait3A = arith.constant 1 : i32
    %dma_wait3A_29 = arith.constant 1 : i32
    %dma_wait3A_30 = arith.constant 0 : i32
    %dma_wait3A_31 = arith.constant 0 : i32
    %dma_wait3A_32 = tpu.memref_slice %arg10[%dma_wait3A, %dma_wait3A_30, %dma_wait3A_31] : memref<3x80x128xf32, #tpu.memory_space<vmem>> -> memref<1x80x128xf32, #tpu.memory_space<vmem>>
    %dma_wait3A_33 = tpu.memref_squeeze %dma_wait3A_32 : memref<1x80x128xf32, #tpu.memory_space<vmem>> -> memref<80x128xf32, #tpu.memory_space<vmem>>
    %dma_wait3A_34 = arith.constant 9920 : i32
    %dma_wait3A_35 = tpu.memref_slice %arg9[%dma_wait3A_34] : memref<10000xi32, #tpu.memory_space<vmem>> -> memref<80xi32, #tpu.memory_space<vmem>>
    %dma_wait3A_36 = arith.constant 0 : i32
    %dma_wait3A_37 = arith.constant 0 : i32
    %dma_wait3A_38 = tpu.memref_slice %arg7[%dma_wait3A_36, %dma_wait3A_37] : memref<10000x128xf32, #tpu.memory_space<vmem_shared>> -> memref<10000x128xf32, #tpu.memory_space<vmem_shared>>
    %dma_wait3A_39 = tpu.memref_slice %arg12[%dma_wait3A_29] : memref<3x!tpu.dma_semaphore, #tpu.memory_space<semaphore_mem>> -> memref<1x!tpu.dma_semaphore, #tpu.memory_space<semaphore_mem>>
    %dma_wait3A_40 = tpu.memref_squeeze %dma_wait3A_39 : memref<1x!tpu.dma_semaphore, #tpu.memory_space<semaphore_mem>> -> memref<!tpu.dma_semaphore, #tpu.memory_space<semaphore_mem>>
    tpu.wait_indirect_dma semaphore(%dma_wait3A_40 : memref<!tpu.dma_semaphore, #tpu.memory_space<semaphore_mem>>) src(%dma_wait3A_33 : memref<80x128xf32, #tpu.memory_space<vmem>>) dst(%dma_wait3A_38 : memref<10000x128xf32, #tpu.memory_space<vmem_shared>>)
    %barrier3A_41 = arith.constant 0 : index
    tpu.barrier barrier_id(%barrier3A_41)
    %lt3A_42 = arith.constant 10 : i32
    %lt3A_43 = arith.cmpi slt, %arg1, %lt3A_42 : i32
    %convert_element_type3A_44 = arith.extui %lt3A_43 : i1 to i32
    %cond3A_45 = arith.constant 0 : i32
    %cond3A_46 = arith.cmpi ne, %convert_element_type3A_44, %cond3A_45 : i32
    scf.if %cond3A_46 {
      %mul3A_47 = arith.constant 1000 : i32
      %mul3A_48 = arith.muli %arg1, %mul3A_47 : i32
      %mul3A_49 = arith.constant 10000 : i32
      %mul3A_50 = arith.muli %arg0, %mul3A_49 : i32
      %add3A_51 = arith.addi %mul3A_50, %mul3A_48 : i32
      "tpu.region"() ({
        %run_scoped3A = tpu.sem_alloc : memref<!tpu.dma_semaphore, #tpu.memory_space<semaphore_mem>>
        %dma_start3A = arith.constant 0 : i32
        %dma_start3A_52 = tpu.memref_slice %arg6[%add3A_51, %dma_start3A] : memref<20000x128xf32, #tpu.memory_space<hbm>> -> memref<1000x128xf32, #tpu.memory_space<hbm>>
        %dma_start3A_53 = arith.constant 0 : i32
        %dma_start3A_54 = tpu.memref_slice %arg7[%mul3A_48, %dma_start3A_53] : memref<10000x128xf32, #tpu.memory_space<vmem_shared>> -> memref<1000x128xf32, #tpu.memory_space<vmem_shared>>
        tpu.enqueue_dma source(%dma_start3A_54 : memref<1000x128xf32, #tpu.memory_space<vmem_shared>>) target(%dma_start3A_52 : memref<1000x128xf32, #tpu.memory_space<hbm>>) target_semaphore(%run_scoped3A : memref<!tpu.dma_semaphore, #tpu.memory_space<semaphore_mem>>)
        %dma_wait3A_55 = arith.constant 0 : i32
        %dma_wait3A_56 = tpu.memref_slice %arg6[%add3A_51, %dma_wait3A_55] : memref<20000x128xf32, #tpu.memory_space<hbm>> -> memref<1000x128xf32, #tpu.memory_space<hbm>>
        %dma_wait3A_57 = arith.constant 0 : i32
        %dma_wait3A_58 = tpu.memref_slice %arg7[%mul3A_48, %dma_wait3A_57] : memref<10000x128xf32, #tpu.memory_space<vmem_shared>> -> memref<1000x128xf32, #tpu.memory_space<vmem_shared>>
        tpu.wait_dma2 semaphore(%run_scoped3A : memref<!tpu.dma_semaphore, #tpu.memory_space<semaphore_mem>>) src(%dma_wait3A_58 : memref<1000x128xf32, #tpu.memory_space<vmem_shared>>) dst(%dma_wait3A_56 : memref<1000x128xf32, #tpu.memory_space<hbm>>)
        tpu.yield
      }) : () -> ()
    } else {
    }
    return
  }
}

module attributes {stable_mosaic.version = 14 : i64} {
  func.func @_prescale_body(%arg0: i32, %arg1: memref<2000x256xf32, #tpu.memory_space<vmem>>, %arg2: memref<1x1x2000xf32, #tpu.memory_space<vmem>>, %arg3: memref<2000x128xf32, #tpu.memory_space<vmem>>, %arg4: memref<2000x128xf32, #tpu.memory_space<vmem>>) attributes {dimension_semantics = [#tpu.dimension_semantics<arbitrary>], iteration_bounds = array<i64: 5>, scalar_prefetch = 0 : i64, scratch_operands = 0 : i64, tpu.core_type = #tpu.core_type<tc>, window_params = [{transform_indices = @transform_0, window_bounds = array<i64: 2000, 256>}, {transform_indices = @transform_1, window_bounds = array<i64: 1, 1, 2000>}, {transform_indices = @transform_2, window_bounds = array<i64: 2000, 128>}, {transform_indices = @transform_3, window_bounds = array<i64: 2000, 128>}]} {
    %get3A = arith.constant 0 : index
    %get3A_0 = arith.constant 0 : index
    %get3A_1 = arith.constant 0 : index
    %get3A_2 = vector.load %arg2[%get3A, %get3A_0, %get3A_1] : memref<1x1x2000xf32, #tpu.memory_space<vmem>>, vector<1x1x2000xf32>
    %get3A_3 = vector.shape_cast %get3A_2 : vector<1x1x2000xf32> to vector<2000xf32>
    %max3A = arith.constant 1.000000e+00 : f32
    %max3A_4 = vector.broadcast %max3A : f32 to vector<2000xf32>
    %max3A_5 = arith.maximumf %get3A_3, %max3A_4 : vector<2000xf32>
    %rsqrt3A = math.rsqrt %max3A_5 : vector<2000xf32>
    %broadcast_in_dim3A = vector.shape_cast %rsqrt3A : vector<2000xf32> to vector<2000x1xf32>
    %get3A_6 = arith.constant 0 : index
    %get3A_7 = arith.constant 0 : index
    %get3A_8 = vector.load %arg1[%get3A_6, %get3A_7] : memref<2000x256xf32, #tpu.memory_space<vmem>>, vector<2000x256xf32>
    %mul3A = vector.broadcast %broadcast_in_dim3A : vector<2000x1xf32> to vector<2000x256xf32>
    %mul3A_9 = arith.mulf %get3A_8, %mul3A : vector<2000x256xf32>
    %slice3A = vector.extract_strided_slice %mul3A_9 {offsets = [0, 0], sizes = [2000, 128], strides = [1, 1]} : vector<2000x256xf32> to vector<2000x128xf32>
    %swap3A = arith.constant 0 : index
    %swap3A_10 = arith.constant 0 : index
    %swap3A_11 = vector.load %arg3[%swap3A, %swap3A_10] : memref<2000x128xf32, #tpu.memory_space<vmem>>, vector<2000x128xf32>
    tpu.vector_store %arg3[%swap3A, %swap3A_10], %slice3A {strides = array<i32>} : memref<2000x128xf32, #tpu.memory_space<vmem>>, vector<2000x128xf32>,
    %slice3A_12 = vector.extract_strided_slice %mul3A_9 {offsets = [0, 128], sizes = [2000, 128], strides = [1, 1]} : vector<2000x256xf32> to vector<2000x128xf32>
    %swap3A_13 = arith.constant 0 : index
    %swap3A_14 = arith.constant 0 : index
    %swap3A_15 = vector.load %arg4[%swap3A_13, %swap3A_14] : memref<2000x128xf32, #tpu.memory_space<vmem>>, vector<2000x128xf32>
    tpu.vector_store %arg4[%swap3A_13, %swap3A_14], %slice3A_12 {strides = array<i32>} : memref<2000x128xf32, #tpu.memory_space<vmem>>, vector<2000x128xf32>,
    return
  }
  func.func @transform_0(%arg0: i32) -> (i32, i32) {
    %c0_i32 = arith.constant 0 : i32
    %c0_i32_0 = arith.constant 0 : i32
    return %arg0, %c0_i32 : i32, i32
  }
  func.func @transform_1(%arg0: i32) -> (i32, i32, i32) {
    %c0_i32 = arith.constant 0 : i32
    %c0_i32_0 = arith.constant 0 : i32
    %c0_i32_1 = arith.constant 0 : i32
    return %arg0, %c0_i32, %c0_i32_0 : i32, i32, i32
  }
  func.func @transform_2(%arg0: i32) -> (i32, i32) {
    %c0_i32 = arith.constant 0 : i32
    %c0_i32_0 = arith.constant 0 : i32
    return %arg0, %c0_i32 : i32, i32
  }
  func.func @transform_3(%arg0: i32) -> (i32, i32) {
    %c0_i32 = arith.constant 0 : i32
    %c0_i32_0 = arith.constant 0 : i32
    return %arg0, %c0_i32 : i32, i32
  }
}

module attributes {stable_mosaic.version = 14 : i64} {
  func.func @_final_body(%arg0: i32, %arg1: memref<2000x128xf32, #tpu.memory_space<vmem>>, %arg2: memref<2000x128xf32, #tpu.memory_space<vmem>>, %arg3: memref<1x1x2000xf32, #tpu.memory_space<vmem>>, %arg4: memref<2000x256xf32, #tpu.memory_space<vmem>>, %arg5: memref<1x1x2000xi32, #tpu.memory_space<vmem>>, %arg6: memref<64x128xf32, #tpu.memory_space<vmem>>, %arg7: memref<128x512xf32, #tpu.memory_space<vmem>>, %arg8: memref<1x512xf32, #tpu.memory_space<vmem>>, %arg9: memref<128x256xf32, #tpu.memory_space<vmem>>, %arg10: memref<128x256xf32, #tpu.memory_space<vmem>>, %arg11: memref<1x256xf32, #tpu.memory_space<vmem>>, %arg12: memref<1x256xf32, #tpu.memory_space<vmem>>, %arg13: memref<1x256xf32, #tpu.memory_space<vmem>>, %arg14: memref<2000x256xf32, #tpu.memory_space<vmem>>) attributes {dimension_semantics = [#tpu.dimension_semantics<arbitrary>], iteration_bounds = array<i64: 5>, scalar_prefetch = 0 : i64, scratch_operands = 0 : i64, tpu.core_type = #tpu.core_type<tc>, window_params = [{transform_indices = @transform_0, window_bounds = array<i64: 2000, 128>}, {transform_indices = @transform_1, window_bounds = array<i64: 2000, 128>}, {transform_indices = @transform_2, window_bounds = array<i64: 1, 1, 2000>}, {transform_indices = @transform_3, window_bounds = array<i64: 2000, 256>}, {transform_indices = @transform_4, window_bounds = array<i64: 1, 1, 2000>}, {pipeline_mode = #tpu.pipeline_mode<synchronous>, transform_indices = @transform_5, window_bounds = array<i64: 64, 128>}, {pipeline_mode = #tpu.pipeline_mode<synchronous>, transform_indices = @transform_6, window_bounds = array<i64: 128, 512>}, {pipeline_mode = #tpu.pipeline_mode<synchronous>, transform_indices = @transform_7, window_bounds = array<i64: 1, 512>}, {transform_indices = @transform_8, window_bounds = array<i64: 128, 256>}, {transform_indices = @transform_9, window_bounds = array<i64: 128, 256>}, {pipeline_mode = #tpu.pipeline_mode<synchronous>, transform_indices = @transform_10, window_bounds = array<i64: 1, 256>}, {pipeline_mode = #tpu.pipeline_mode<synchronous>, transform_indices = @transform_11, window_bounds = array<i64: 1, 256>}, {pipeline_mode = #tpu.pipeline_mode<synchronous>, transform_indices = @transform_12, window_bounds = array<i64: 1, 256>}, {transform_indices = @transform_13, window_bounds = array<i64: 2000, 256>}]} {
    %get3A = arith.constant 0 : index
    %get3A_0 = arith.constant 0 : index
    %get3A_1 = vector.load %arg6[%get3A, %get3A_0] : memref<64x128xf32, #tpu.memory_space<vmem>>, vector<64x128xf32>
    %get3A_2 = arith.constant 0 : index
    %get3A_3 = arith.constant 0 : index
    %get3A_4 = vector.load %arg7[%get3A_2, %get3A_3] : memref<128x512xf32, #tpu.memory_space<vmem>>, vector<128x512xf32>
    %dot_general3A = arith.constant dense<0.000000e+00> : vector<64x512xf32>
    %dot_general3A_5 = tpu.matmul %get3A_1, %get3A_4, %dot_general3A {dimension_numbers = #tpu.dot_dimension_numbers<[1], [0], [0], [1], [0, 0, 1, 1], [], []>, transpose_lhs_hint = false} : vector<64x128xf32>, vector<128x512xf32>, vector<64x512xf32> -> vector<64x512xf32>
    %get3A_6 = arith.constant 0 : index
    %get3A_7 = arith.constant 0 : index
    %get3A_8 = vector.load %arg8[%get3A_6, %get3A_7] : memref<1x512xf32, #tpu.memory_space<vmem>>, vector<1x512xf32>
    %add3A = vector.broadcast %get3A_8 : vector<1x512xf32> to vector<64x512xf32>
    %add3A_9 = arith.addf %dot_general3A_5, %add3A : vector<64x512xf32>
    %slice3A = vector.extract_strided_slice %add3A_9 {offsets = [0, 0], sizes = [64, 256], strides = [1, 1]} : vector<64x512xf32> to vector<64x256xf32>
    %slice3A_10 = vector.extract_strided_slice %add3A_9 {offsets = [0, 256], sizes = [64, 256], strides = [1, 1]} : vector<64x512xf32> to vector<64x256xf32>
    %get3A_11 = arith.constant 0 : index
    %get3A_12 = arith.constant 0 : index
    %get3A_13 = arith.constant 0 : index
    %get3A_14 = vector.load %arg5[%get3A_11, %get3A_12, %get3A_13] : memref<1x1x2000xi32, #tpu.memory_space<vmem>>, vector<1x1x2000xi32>
    %get3A_15 = vector.shape_cast %get3A_14 : vector<1x1x2000xi32> to vector<2000xi32>
    %broadcast_in_dim3A = vector.shape_cast %get3A_15 : vector<2000xi32> to vector<2000x1xi32>
    %iota3A = tpu.iota {dimensions = array<i32: 1>} : vector<1x64xi32>
    %eq3A = vector.broadcast %broadcast_in_dim3A : vector<2000x1xi32> to vector<2000x64xi32>
    %eq3A_16 = vector.broadcast %iota3A : vector<1x64xi32> to vector<2000x64xi32>
    %eq3A_17 = arith.cmpi eq, %eq3A, %eq3A_16 : vector<2000x64xi32>
    %convert_element_type3A = arith.extui %eq3A_17 : vector<2000x64xi1> to vector<2000x64xi32>
    %convert_element_type3A_18 = arith.sitofp %convert_element_type3A : vector<2000x64xi32> to vector<2000x64xf32>
    %dot_general3A_19 = arith.constant dense<0.000000e+00> : vector<2000x256xf32>
    %dot_general3A_20 = tpu.matmul %convert_element_type3A_18, %slice3A, %dot_general3A_19 {dimension_numbers = #tpu.dot_dimension_numbers<[1], [0], [0], [1], [0, 0, 1, 1], [], []>, transpose_lhs_hint = false} : vector<2000x64xf32>, vector<64x256xf32>, vector<2000x256xf32> -> vector<2000x256xf32>
    %dot_general3A_21 = arith.constant dense<0.000000e+00> : vector<2000x256xf32>
    %dot_general3A_22 = tpu.matmul %convert_element_type3A_18, %slice3A_10, %dot_general3A_21 {dimension_numbers = #tpu.dot_dimension_numbers<[1], [0], [0], [1], [0, 0, 1, 1], [], []>, transpose_lhs_hint = false} : vector<2000x64xf32>, vector<64x256xf32>, vector<2000x256xf32> -> vector<2000x256xf32>
    %get3A_23 = arith.constant 0 : index
    %get3A_24 = arith.constant 0 : index
    %get3A_25 = arith.constant 0 : index
    %get3A_26 = vector.load %arg3[%get3A_23, %get3A_24, %get3A_25] : memref<1x1x2000xf32, #tpu.memory_space<vmem>>, vector<1x1x2000xf32>
    %get3A_27 = vector.shape_cast %get3A_26 : vector<1x1x2000xf32> to vector<2000xf32>
    %max3A = arith.constant 1.000000e+00 : f32
    %max3A_28 = vector.broadcast %max3A : f32 to vector<2000xf32>
    %max3A_29 = arith.maximumf %get3A_27, %max3A_28 : vector<2000xf32>
    %rsqrt3A = math.rsqrt %max3A_29 : vector<2000xf32>
    %broadcast_in_dim3A_30 = vector.shape_cast %rsqrt3A : vector<2000xf32> to vector<2000x1xf32>
    %get3A_31 = arith.constant 0 : index
    %get3A_32 = arith.constant 0 : index
    %get3A_33 = vector.load %arg1[%get3A_31, %get3A_32] : memref<2000x128xf32, #tpu.memory_space<vmem>>, vector<2000x128xf32>
    %get3A_34 = arith.constant 0 : index
    %get3A_35 = arith.constant 0 : index
    %get3A_36 = vector.load %arg9[%get3A_34, %get3A_35] : memref<128x256xf32, #tpu.memory_space<vmem>>, vector<128x256xf32>
    %dot_general3A_37 = arith.constant dense<0.000000e+00> : vector<2000x256xf32>
    %dot_general3A_38 = tpu.matmul %get3A_33, %get3A_36, %dot_general3A_37 {dimension_numbers = #tpu.dot_dimension_numbers<[1], [0], [0], [1], [0, 0, 1, 1], [], []>, transpose_lhs_hint = false} : vector<2000x128xf32>, vector<128x256xf32>, vector<2000x256xf32> -> vector<2000x256xf32>
    %get3A_39 = arith.constant 0 : index
    %get3A_40 = arith.constant 0 : index
    %get3A_41 = vector.load %arg2[%get3A_39, %get3A_40] : memref<2000x128xf32, #tpu.memory_space<vmem>>, vector<2000x128xf32>
    %get3A_42 = arith.constant 0 : index
    %get3A_43 = arith.constant 0 : index
    %get3A_44 = vector.load %arg10[%get3A_42, %get3A_43] : memref<128x256xf32, #tpu.memory_space<vmem>>, vector<128x256xf32>
    %dot_general3A_45 = arith.constant dense<0.000000e+00> : vector<2000x256xf32>
    %dot_general3A_46 = tpu.matmul %get3A_41, %get3A_44, %dot_general3A_45 {dimension_numbers = #tpu.dot_dimension_numbers<[1], [0], [0], [1], [0, 0, 1, 1], [], []>, transpose_lhs_hint = false} : vector<2000x128xf32>, vector<128x256xf32>, vector<2000x256xf32> -> vector<2000x256xf32>
    %add3A_47 = arith.addf %dot_general3A_38, %dot_general3A_46 : vector<2000x256xf32>
    %mul3A = vector.broadcast %broadcast_in_dim3A_30 : vector<2000x1xf32> to vector<2000x256xf32>
    %mul3A_48 = arith.mulf %add3A_47, %mul3A : vector<2000x256xf32>
    %get3A_49 = arith.constant 0 : index
    %get3A_50 = arith.constant 0 : index
    %get3A_51 = vector.load %arg11[%get3A_49, %get3A_50] : memref<1x256xf32, #tpu.memory_space<vmem>>, vector<1x256xf32>
    %add3A_52 = vector.broadcast %get3A_51 : vector<1x256xf32> to vector<2000x256xf32>
    %add3A_53 = arith.addf %mul3A_48, %add3A_52 : vector<2000x256xf32>
    %reduce_sum3A = arith.constant dense<0.000000e+00> : vector<2000xf32>
    %reduce_sum3A_54 = vector.multi_reduction <add>, %add3A_53, %reduce_sum3A [1] : vector<2000x256xf32> to vector<2000xf32>
    %broadcast_in_dim3A_55 = vector.shape_cast %reduce_sum3A_54 : vector<2000xf32> to vector<2000x1xf32>
    %div3A = arith.constant 2.560000e+02 : f32
    %div3A_56 = vector.broadcast %div3A : f32 to vector<2000x1xf32>
    %div3A_57 = arith.divf %broadcast_in_dim3A_55, %div3A_56 : vector<2000x1xf32>
    %sub3A = vector.broadcast %div3A_57 : vector<2000x1xf32> to vector<2000x256xf32>
    %sub3A_58 = arith.subf %add3A_53, %sub3A : vector<2000x256xf32>
    %mul3A_59 = arith.mulf %sub3A_58, %sub3A_58 : vector<2000x256xf32>
    %reduce_sum3A_60 = arith.constant dense<0.000000e+00> : vector<2000xf32>
    %reduce_sum3A_61 = vector.multi_reduction <add>, %mul3A_59, %reduce_sum3A_60 [1] : vector<2000x256xf32> to vector<2000xf32>
    %broadcast_in_dim3A_62 = vector.shape_cast %reduce_sum3A_61 : vector<2000xf32> to vector<2000x1xf32>
    %div3A_63 = arith.constant 2.560000e+02 : f32
    %div3A_64 = vector.broadcast %div3A_63 : f32 to vector<2000x1xf32>
    %div3A_65 = arith.divf %broadcast_in_dim3A_62, %div3A_64 : vector<2000x1xf32>
    %add3A_66 = arith.constant 9.99999974E-6 : f32
    %add3A_67 = vector.broadcast %add3A_66 : f32 to vector<2000x1xf32>
    %add3A_68 = arith.addf %div3A_65, %add3A_67 : vector<2000x1xf32>
    %rsqrt3A_69 = math.rsqrt %add3A_68 : vector<2000x1xf32>
    %mul3A_70 = vector.broadcast %rsqrt3A_69 : vector<2000x1xf32> to vector<2000x256xf32>
    %mul3A_71 = arith.mulf %sub3A_58, %mul3A_70 : vector<2000x256xf32>
    %get3A_72 = arith.constant 0 : index
    %get3A_73 = arith.constant 0 : index
    %get3A_74 = vector.load %arg12[%get3A_72, %get3A_73] : memref<1x256xf32, #tpu.memory_space<vmem>>, vector<1x256xf32>
    %mul3A_75 = vector.broadcast %get3A_74 : vector<1x256xf32> to vector<2000x256xf32>
    %mul3A_76 = arith.mulf %mul3A_71, %mul3A_75 : vector<2000x256xf32>
    %get3A_77 = arith.constant 0 : index
    %get3A_78 = arith.constant 0 : index
    %get3A_79 = vector.load %arg13[%get3A_77, %get3A_78] : memref<1x256xf32, #tpu.memory_space<vmem>>, vector<1x256xf32>
    %add3A_80 = vector.broadcast %get3A_79 : vector<1x256xf32> to vector<2000x256xf32>
    %add3A_81 = arith.addf %mul3A_76, %add3A_80 : vector<2000x256xf32>
    %add3A_82 = arith.constant 1.000000e+00 : f32
    %add3A_83 = vector.broadcast %add3A_82 : f32 to vector<2000x256xf32>
    %add3A_84 = arith.addf %add3A_83, %dot_general3A_20 : vector<2000x256xf32>
    %mul3A_85 = arith.mulf %add3A_81, %add3A_84 : vector<2000x256xf32>
    %add3A_86 = arith.addf %mul3A_85, %dot_general3A_22 : vector<2000x256xf32>
    %logistic3A = arith.negf %add3A_86 : vector<2000x256xf32>
    %logistic3A_87 = math.exp %logistic3A : vector<2000x256xf32>
    %logistic3A_88 = arith.constant 1.000000e+00 : f32
    %logistic3A_89 = vector.broadcast %logistic3A_88 : f32 to vector<2000x256xf32>
    %logistic3A_90 = arith.addf %logistic3A_89, %logistic3A_87 : vector<2000x256xf32>
    %logistic3A_91 = arith.divf %logistic3A_89, %logistic3A_90 : vector<2000x256xf32>
    %mul3A_92 = arith.mulf %add3A_86, %logistic3A_91 : vector<2000x256xf32>
    %get3A_93 = arith.constant 0 : index
    %get3A_94 = arith.constant 0 : index
    %get3A_95 = vector.load %arg4[%get3A_93, %get3A_94] : memref<2000x256xf32, #tpu.memory_space<vmem>>, vector<2000x256xf32>
    %add3A_96 = arith.addf %mul3A_92, %get3A_95 : vector<2000x256xf32>
    %swap3A = arith.constant 0 : index
    %swap3A_97 = arith.constant 0 : index
    %swap3A_98 = vector.load %arg14[%swap3A, %swap3A_97] : memref<2000x256xf32, #tpu.memory_space<vmem>>, vector<2000x256xf32>
    tpu.vector_store %arg14[%swap3A, %swap3A_97], %add3A_96 {strides = array<i32>} : memref<2000x256xf32, #tpu.memory_space<vmem>>, vector<2000x256xf32>,
    return
  }
  func.func @transform_0(%arg0: i32) -> (i32, i32) {
    %c0_i32 = arith.constant 0 : i32
    %c0_i32_0 = arith.constant 0 : i32
    return %arg0, %c0_i32 : i32, i32
  }
  func.func @transform_1(%arg0: i32) -> (i32, i32) {
    %add3A = arith.constant 5 : i32
    %add3A_0 = arith.addi %add3A, %arg0 : i32
    %c0_i32 = arith.constant 0 : i32
    %c0_i32_1 = arith.constant 0 : i32
    return %add3A_0, %c0_i32 : i32, i32
  }
  func.func @transform_2(%arg0: i32) -> (i32, i32, i32) {
    %add3A = arith.constant 5 : i32
    %add3A_0 = arith.addi %add3A, %arg0 : i32
    %c0_i32 = arith.constant 0 : i32
    %c0_i32_1 = arith.constant 0 : i32
    %c0_i32_2 = arith.constant 0 : i32
    return %add3A_0, %c0_i32, %c0_i32_1 : i32, i32, i32
  }
  func.func @transform_3(%arg0: i32) -> (i32, i32) {
    %c0_i32 = arith.constant 0 : i32
    %c0_i32_0 = arith.constant 0 : i32
    return %arg0, %c0_i32 : i32, i32
  }
  func.func @transform_4(%arg0: i32) -> (i32, i32, i32) {
    %c0_i32 = arith.constant 0 : i32
    %c0_i32_0 = arith.constant 0 : i32
    %c0_i32_1 = arith.constant 0 : i32
    return %arg0, %c0_i32, %c0_i32_0 : i32, i32, i32
  }
  func.func @transform_5(%arg0: i32) -> (i32, i32) {
    %c0_i32 = arith.constant 0 : i32
    %c0_i32_0 = arith.constant 0 : i32
    %c0_i32_1 = arith.constant 0 : i32
    return %c0_i32, %c0_i32_0 : i32, i32
  }
  func.func @transform_6(%arg0: i32) -> (i32, i32) {
    %c0_i32 = arith.constant 0 : i32
    %c0_i32_0 = arith.constant 0 : i32
    %c0_i32_1 = arith.constant 0 : i32
    return %c0_i32, %c0_i32_0 : i32, i32
  }
  func.func @transform_7(%arg0: i32) -> (i32, i32) {
    %c0_i32 = arith.constant 0 : i32
    %c0_i32_0 = arith.constant 0 : i32
    %c0_i32_1 = arith.constant 0 : i32
    return %c0_i32, %c0_i32_0 : i32, i32
  }
  func.func @transform_8(%arg0: i32) -> (i32, i32) {
    %c0_i32 = arith.constant 0 : i32
    %c0_i32_0 = arith.constant 0 : i32
    %c0_i32_1 = arith.constant 0 : i32
    return %c0_i32, %c0_i32_0 : i32, i32
  }
  func.func @transform_9(%arg0: i32) -> (i32, i32) {
    %c1_i32 = arith.constant 1 : i32
    %c0_i32 = arith.constant 0 : i32
    %c0_i32_0 = arith.constant 0 : i32
    return %c1_i32, %c0_i32 : i32, i32
  }
  func.func @transform_10(%arg0: i32) -> (i32, i32) {
    %c0_i32 = arith.constant 0 : i32
    %c0_i32_0 = arith.constant 0 : i32
    %c0_i32_1 = arith.constant 0 : i32
    return %c0_i32, %c0_i32_0 : i32, i32
  }
  func.func @transform_11(%arg0: i32) -> (i32, i32) {
    %c0_i32 = arith.constant 0 : i32
    %c0_i32_0 = arith.constant 0 : i32
    %c0_i32_1 = arith.constant 0 : i32
    return %c0_i32, %c0_i32_0 : i32, i32
  }
  func.func @transform_12(%arg0: i32) -> (i32, i32) {
    %c0_i32 = arith.constant 0 : i32
    %c0_i32_0 = arith.constant 0 : i32
    %c0_i32_1 = arith.constant 0 : i32
    return %c0_i32, %c0_i32_0 : i32, i32
  }
  func.func @transform_13(%arg0: i32) -> (i32, i32) {
    %c0_i32 = arith.constant 0 : i32
    %c0_i32_0 = arith.constant 0 : i32
    return %arg0, %c0_i32 : i32, i32
  }
}

</mosaic_0001>

<sc_bundles>
// kernel: kernel.6.cloned.1.call-start
scs
__scs_entry_jumppad:
0x0: {  	(pc) =	sbr.rel $0x88, $3  }
0x1: {  	(tag) =	ssettag $0x0;
	lr =	simm.s32 $0x1  }
0x2: {  	[smem:$0x3F97] =	sst lr;
	_ =	strace $0xD0000000  }
0x3: {  	_ = 	snop  }
0x4: {  	_ = 	snop  }
0x5: {  	_ = 	snop  }
0x6: {  	_ = 	snop  }
0x7: {  	_ = 	snop  }
__scs_overlays_trampoline_lowered:
0x8: {  	[smem:$0x3FA6] =	sst s0  }
0x9: {  	[smem:$0x3FA7] =	sst s1  }
0xa: {  	[smem:$0x3FA8] =	sst s2  }
0xb: {  	[smem:$0x3FA9] =	sst s3  }
0xc: {  	[smem:$0x3FAA] =	sst s4  }
0xd: {  	[smem:$0x3FAB] =	sst s5  }
0xe: {  	[smem:$0x3FAC] =	sst s6  }
0xf: {  	[smem:$0x3FAD] =	sst s7  }
0x10: {  	[smem:$0x3FAE] =	sst s8  }
0x11: {  	[smem:$0x3FAF] =	sst s9;
	s0 =	simm.s32 @!p0 $0x0  }
0x12: {  	s1 =	sld [smem:$0x3F95];
	s0 =	simm.s32 @p0 $0x1  }
0x13: {  	[smem:$0x3FB0] =	sst s0;
	s0 =	simm.s32 @!p1 $0x0  }
0x14: {  	s2 =	sld [smem:$0x3F94];
	s0 =	simm.s32 @p1 $0x1  }
0x15: {  	[smem:$0x3FB1] =	sst s0;
	s0 =	simm.s32 @!p2 $0x0  }
0x16: {  	s3 =	sld [smem:$0x3FDB];
	s0 =	simm.s32 @p2 $0x1  }
0x17: {  	s4 =	simm.s32 $0x1BF5;
	[smem:$0x3FB3] =	sst s0  }
0x18: {  	s0 =	sld [smem:$0x3F96];
	_ =	swait.ge [sflag:s4], $0x0  }
0x19: {  	s7 =	sld [smem:$0x3F97]  }
0x1a: {  	s8 =	sadd.s32 $0xFFFFE003, lr  }
0x1b: {  	s9 =	sadd.s32 $0xFFFFFEF7, lr;
	s5 =	simm.s32 $0xFFFFFFFF;
	p2 =	slt.u32 s8, $0xFFFFF086  }
0x1c: {  	p1 =	slt.u32 s9, $0xF7A;
	s5 =	simm.s32 @!p2 $0x0  }
0x1d: {  	s5 =	simm.s32 @p1 $0x1;
	p0 =	seq.s32 s7, s2  }
0x1e: {  	s7 =	smul.u32 @!p0 $0xF7A, s2;
	p2 =	seq.s32 @!p0 s5, $0x0  }
0x1f: {  	s9 =	smul.u32 $0xF7A, s1;
	s8 =	simm.s32 @!p0 $0x1BF5;
	p2 =	por !p2, p0  }
0x20: {  	[sflag:s8] =	ssyncset.s32 @!p0 $0xFFFFF086;
	s6 =	sadd.s32 @!p0 s3, s7;
	s7 =	simm.s32 @!p0 $0x108  }
0x21: {  	s3 =	sadd.s32 s3, s9;
	s6 =	sadd.s32 @!p0 $0x88, s6;
	s7 =	simm.s32 @p2 $0x1082  }
0x22: {  	[simem:s7], [sflag:s8] =	dma.local @!p0 [hbm:s6], $0xF7A  }
0x23: {  	s9 =	sor.u32 $0xD0000000, s2;
	s6 =	simm.s32 $0x108;
	_ =	swait.ge @!p0 [sflag:s8], $0x0  }
0x24: {  	s3 =	sadd.s32 $0x88, s3;
	s6 =	simm.s32 @!p1 $0x1082;
	[sflag:s4] =	ssyncset.s32 $0xFFFFF086  }
0x25: {  	[simem:s6], [sflag:s4] =	dma.local [hbm:s3], $0xF7A  }
0x26: {  	[smem:$0x3F97] =	sst s1;
	(tag) =	ssettag s2;
	_ =	strace s9  }
0x27: {  	s1 =	sld [smem:$0x3FA7]  }
0x28: {  	s2 =	sld [smem:$0x3FA8]  }
0x29: {  	s4 =	sld [smem:$0x3FAA]  }
0x2a: {  	p0 =	seq.s32 s5, $0x0;
	s5 =	sld [smem:$0x3FAB]  }
0x2b: {  	s6 =	sld [smem:$0x3FAC]  }
0x2c: {  	s7 =	sld [smem:$0x3FAD]  }
0x2d: {  	s3 =	simm.s32 $0x108;
	s8 =	sld [smem:$0x3FAE]  }
0x2e: {  	s3 =	simm.s32 @!p0 $0x1082;
	s9 =	sld [smem:$0x3FAF]  }
0x2f: {  	lr =	sadd.s32 s0, s3;
	s0 =	sld [smem:$0x3FA6]  }
0x30: {  	s3 =	sld [smem:$0x3FA9]  }
0x31: {  	[smem:$0x3FB2] =	sst s10  }
0x32: {  	s10 =	sld [smem:$0x3FB0];
	_ =	sdelay $0x3  }
0x33: {  	p0 =	seq.s32 s10, $0x1;
	s10 =	sld [smem:$0x3FB2];
	_ =	sdelay $0x3  }
0x34: {  	[smem:$0x3FB2] =	sst s10  }
0x35: {  	s10 =	sld [smem:$0x3FB1];
	_ =	sdelay $0x3  }
0x36: {  	p1 =	seq.s32 s10, $0x1;
	s10 =	sld [smem:$0x3FB2];
	_ =	sdelay $0x3  }
0x37: {  	[smem:$0x3FB2] =	sst s10  }
0x38: {  	s10 =	sld [smem:$0x3FB3]  }
0x39: {  	_ = 	snop;
	(pc) =	sbr.ind lr, $3  }
0x3a: {  	_ = 	snop  }
0x3b: {  	_ = 	snop  }
0x3c: {  	p2 =	seq.s32 s10, $0x1;
	s10 =	sld [smem:$0x3FB2]  }
0x3d: {  	_ =	shalt  }
0x3e: {  	_ =	shalt  }
0x3f: {  	_ =	shalt  }
0x40: {  	_ =	shalt  }
0x41: {  	_ =	shalt  }
0x42: {  	_ =	shalt  }
0x43: {  	_ =	shalt  }
0x44: {  	_ =	shalt  }
0x45: {  	_ =	shalt  }
0x46: {  	_ =	shalt  }
0x47: {  	_ =	shalt  }
0x48: {  	_ =	shalt  }
0x49: {  	_ =	shalt  }
0x4a: {  	_ =	shalt  }
0x4b: {  	_ =	shalt  }
0x4c: {  	_ =	shalt  }
0x4d: {  	_ =	shalt  }
0x4e: {  	_ =	shalt  }
0x4f: {  	_ =	shalt  }
0x50: {  	_ =	shalt  }
0x51: {  	_ =	shalt  }
0x52: {  	_ =	shalt  }
0x53: {  	_ =	shalt  }
0x54: {  	_ =	shalt  }
0x55: {  	_ =	shalt  }
0x56: {  	_ =	shalt  }
0x57: {  	_ =	shalt  }
0x58: {  	_ =	shalt  }
0x59: {  	_ =	shalt  }
0x5a: {  	_ =	shalt  }
0x5b: {  	_ =	shalt  }
0x5c: {  	_ =	shalt  }
0x5d: {  	_ =	shalt  }
0x5e: {  	_ =	shalt  }
0x5f: {  	_ =	shalt  }
0x60: {  	_ =	shalt  }
0x61: {  	_ =	shalt  }
0x62: {  	_ =	shalt  }
0x63: {  	_ =	shalt  }
0x64: {  	_ =	shalt  }
0x65: {  	_ =	shalt  }
0x66: {  	_ =	shalt  }
0x67: {  	_ =	shalt  }
0x68: {  	_ =	shalt  }
0x69: {  	_ =	shalt  }
0x6a: {  	_ =	shalt  }
0x6b: {  	_ =	shalt  }
0x6c: {  	_ =	shalt  }
0x6d: {  	_ =	shalt  }
0x6e: {  	_ =	shalt  }
0x6f: {  	_ =	shalt  }
0x70: {  	_ =	shalt  }
0x71: {  	_ =	shalt  }
0x72: {  	_ =	shalt  }
0x73: {  	_ =	shalt  }
0x74: {  	_ =	shalt  }
0x75: {  	_ =	shalt  }
0x76: {  	_ =	shalt  }
0x77: {  	_ =	shalt  }
0x78: {  	_ =	shalt  }
0x79: {  	_ =	shalt  }
0x7a: {  	_ =	shalt  }
0x7b: {  	_ =	shalt  }
0x7c: {  	_ =	shalt  }
0x7d: {  	_ =	shalt  }
0x7e: {  	_ =	shalt  }
0x7f: {  	_ =	shalt  }
0x80: {  	_ =	shalt  }
0x81: {  	_ =	shalt  }
0x82: {  	_ =	shalt  }
0x83: {  	_ =	shalt  }
0x84: {  	_ =	shalt  }
0x85: {  	_ =	shalt  }
0x86: {  	_ =	shalt  }
0x87: {  	_ =	shalt  }
.Lfunc_end0:
.L_simem_size_0:
called_computation_lowered:
.L_overlay_start_0:
0x88: {  	s2 =	sld [smem:$0x3FD9]  }
0x89: {  	s3 =	sld [smem:$0x3FFE];
	_ =	sdelay $0x1  }
0x8a: {  	s1 =	srdreg.scid  }
0x8b: {  	s0 =	sand.u32 $0x1, s1  }
0x8c: {  	s17 =	sshll.u32 s0, $0xA;
	s2 =	sadd.s32 s3, s2  }
0x8d: {  	s2 =	sadd.s32 s2, s17  }
0x8e: {  	[smem:$0x3FBE] =	sst s2  }
0x8f: {  	_ = 	snop  }
0x90: {  	s2 =	sld [smem:$0x3FD0];
	(tm) =	ssettm $0x1  }
0x91: {  	s18 =	sld [smem:$0x3FFB];
	_ =	sdelay $0x3  }
0x92: {  	_ =	strace s18  }
0x93: {  	s3 =	sld [smem:$0x3FFC];
	_ =	sdelay $0x3  }
0x94: {  	_ =	strace s3  }
0x95: {  	s3 =	sld [smem:$0x3FFD];
	_ =	sdelay $0x3  }
0x96: {  	_ =	strace s3  }
0x97: {  	_ =	strace $0x8FFFFFFF  }
0x98: {  	s19 =	sld [smem:$0x3FDB];
	_ =	sdelay $0x1  }
0x99: {  	s4 =	simm.s32 $_scs_section_size  }
0x9a: {  	s5 =	simm.s32 $_size__tile_overlayer_lowered;
	s6 =	simm.s32 $_tile_overlayer_lowered  }
0x9b: {  	s22 =	simm.s32 $0x1BFF;
	s21 =	sshll.u32 s6, $0x1;
	s3 =	sadd.s32 s4, s19  }
0x9c: {  	s7 =	simm.s32 $0x0;
	s20 =	sshll.u32 s5, $0x1;
	s5 =	sadd.s32 s21, s3  }
0x9d: {  	[timem:s7], [sflag:s22] =	dma.local [hbm:s5], s20  }
0x9e: {  	_ =	swait.ge [sflag:s22], s20  }
0x9f: {  	s4 =	ssub.s32 $0x0, s20;
	[sflag:s22] =	ssyncset.done $0x0  }
0xa0: {  	[sflag:s22] =	ssyncadd.s32 s4;
	_ =	sdelay $0x1  }
0xa1: {  	s23 =	simm.s32 $0x1B8B  }
0xa2: {  	_ =	swait.ge [sflag:s23], $0x1  }
0xa3: {  	[sflag:s23] =	ssyncset.done $0x0  }
0xa4: {  	s25 =	simm.s32 $0x1B8E;
	s24 =	sld [smem:$0x3FFE];
	[sflag:s23] =	ssyncadd.s32 $0xFFFFFFFF  }
0xa5: {  	s26 =	simm.s32 $execute0_lowered;
	[smem:$0x3FD2] =	sst s25  }
0xa6: {  	s5 =	sshll.u32 s26, $0x1;
	_ =	strace $0x80000046;
	[dreg:$0x1] =	wrdreg $0xFFFFFFFF  }
0xa7: {  	s28 =	simm.s32 $_size_execute0_lowered;
	s3 =	sadd.s32 s3, s5;
	[dreg:$0x0] =	wrdreg $0x0  }
0xa8: {  	s5 =	sshll.u32 s28, $0x1;
	[dreg:$0x2] =	wrdreg s3  }
0xa9: {  	[dreg:$0x3] =	wrdreg s5  }
0xaa: {  	[dreg:$0x4] =	wrdreg $0xC0  }
0xab: {  	_ =	task [dreg:s7], $0x5FFFF  }
0xac: {  	[dreg:$0x1] =	wrdreg $0xFFFFFFFF  }
0xad: {  	[dreg:$0x0] =	wrdreg $0x60  }
0xae: {  	[dreg:$0x2] =	wrdreg s24  }
0xaf: {  	[dreg:$0x3] =	wrdreg s2  }
0xb0: {  	[dreg:$0x4] =	wrdreg $0x0  }
0xb1: {  	[dreg:$0x5] =	wrdreg $0x9  }
0xb2: {  	_ =	task.clear_ibuf [dreg:s7], $0x6FFFF;
	_ =	strace $0x90000046  }
0xb3: {  	s29 =	simm.s32 $0x9;
	_ =	strace $0x80000048  }
0xb4: {  	_ =	swait.ge [sflag:s29], $0x1  }
0xb5: {  	[sflag:s29] =	ssyncadd.s32 $0xFFFFFFFF  }
0xb6: {  	_ =	strace $0x90000048  }
0xb7: {  	_ =	sfence  }
0xb8: {  	s30 =	sld [smem:$0x0];
	_ =	sdelay $0x2  }
0xb9: {  	s31 =	sshll.u32 s1, $0xD;
	s1 =	sshrl.u32 s1, $0x2  }
0xba: {  	s3 =	sand.u32 $0x4000, s31;
	s1 =	sadd.s32 s1, s30  }
0xbb: {  	s0 =	sor.u32 s3, s0;
	s1 =	sshll.u32 s1, $0x11  }
0xbc: {  	s0 =	sor.u32 s1, s0  }
0xbd: {  	s0 =	sadd.s32 $0x8F2B, s0  }
0xbe: {  	[sflag:s0] =	ssyncadd.remote.s32 $0x1  }
0xbf: {  	_ =	sfence.sel $0xFFFF  }
0xc0: {  	[dreg:$0x0] =	wrdreg $0xFFFFFFFF;
	(pc) =	sbr.abs _section_cstart, $3  }
0xc1: {  	[dreg:$0x1] =	wrdreg $0xFFFFFFFF  }
0xc2: {  	_ =	task.clear_ibuf [dreg:s7], $0x2FFFF;
	_ =	strace $0x9FFFFFFF  }
0xc3: {  	(tm) =	ssettm $0x7FFFFFFF  }
tec
execute0_lowered:
.L_overlay_start_1:
0x0: {  	(tag) =	ssettag $0x1  }
0x1: {  	s3 =	rddreg [dreg:$0x0]  }
0x2: {  	s6 =	rddreg [dreg:$0x1];
	s0 =	srdreg.scid  }
0x3: {  	s1 =	rddreg [dreg:$0x2];
	s14 =	stileid.u32  }
0x4: {  	s2 =	simm.s32 $0x0;
	s10 =	simm.s32 $0x2;
	s11 =	simm.s32 $0x50  }
0x5: {  	s12 =	simm.s32 $0x29F8;
	s13 =	simm.s32 $0x1;
	s15 =	simm.s32 $0x2848  }
0x6: {  	s16 =	simm.s32 $0x2898;
	s17 =	simm.s32 $0x28E8;
	s18 =	simm.s32 $0x2938  }
0x7: {  	s4 =	sand.u32 $0x1, s0;
	s0 =	rddreg [dreg:$0x3];
	s7 =	smul.u32 $0x2710, s14  }
0x8: {  	s19 =	simm.s32 $0x0;
	[smem:$0x7FF] =	sst s2;
	s28 =	smul.u32 $0x3E8, s14  }
0x9: {  	p0 =	sne.s32 s14, $0x0;
	p1 =	sgt.u32 s14, $0x9;
	s5 =	smul.u32 $0x27100, s4  }
0xa: {  	s14 =	simm.s32 $0x27F8;
	s8 =	ssub.s32 $0x2, s4;
	s9 =	smul.u32 $0x2710, s4  }
0xb: {  	_ =	strace $0x80000047;
	s30 =	sshrl.u32 s8, $0x1;
	s5 =	sadd.s32 s7, s5  }
0xc: {  	s8 =	ssub.s32 s8, s30;
	s9 =	sadd.s32 s28, s9;
	s5 =	sshrl.u32 s5, $0x3  }
0xd: {  	s31 =	sshrl.u32 s9, $0x3;
	s7 =	smax.u32 s8, $0x1;
	s8 =	sshrl.u32 @!p0 s1, $0x3  }
0xe: {  	s9 =	simm.s32 $0x278;
	s29 =	sadd.s32 s5, s3;
	s3 =	sadd.s32 $0xC000, s3  }
0xf: {  	v0 =	vimm.f32 $1.000000000e+00;
	s5 =	sadd.s32 s28, s1;
	s6 =	sadd.s32 s6, s31;
	s4 =	sadd.s32 $0x2200, s29  }
.LBB2_1:
0x10: {  	s20 =	simm.s32 @!p0 $0x1C02  }
0x11: {  	[spmem:s8], [sflag:s20] =	dma.local @!p0 [hbm:s3], $0x4F0  }
0x12: {  	s20 =	simm.s32 @!p0 $0x2  }
0x13: {  	_ =	swait.ge @!p0 [sflag:s20], $0x4F0  }
0x14: {  	[sflag:s20] =	ssyncset.done @!p0 $0x0  }
0x15: {  	[sflag:s20] =	ssyncadd.s32 @!p0 $0xFFFFFB10  }
0x16: {  	[tilespmem:$0x29F8] =	vst v0  }
0x17: {  	[tilespmem:$0x2A08] =	vst v0  }
0x18: {  	[tilespmem:$0x2A18] =	vst v0  }
0x19: {  	[tilespmem:$0x2A28] =	vst v0  }
0x1a: {  	[tilespmem:$0x2A38] =	vst v0  }
0x1b: {  	[tilespmem:s9], [sflag:$0x2] =	stream.linear.gather [hbm4b:s4+s2], $0x2710, $0x38;
	[tilespmem:$0x2E78] =	vst v63  }
0x1c: {  	_ =	swait.ge [sflag:s10], $0x2710  }
0x1d: {  	[sflag:s10] =	ssyncset.done $0x0  }
0x1e: {  	[sflag:s10] =	ssyncadd.s32 $0xFFFFD8F0  }
0x1f: {  	s23 =	simm.s32 $0x278;
	[bflag:$0x0] =	sbarrier.arrive $0xFFFF  }
0x20: {  	[spmem:s1] =	stream.indirect.scatter.add.f32 [tilespmem:s12], [sflag:$0x1], $0x1, s23, s11, $0xb8;
	[tilespmem:$0x2E78] =	vst v63  }
0x21: {  	s24 =	simm.s32 $0x2C8  }
0x22: {  	[spmem:s1] =	stream.indirect.scatter.add.f32 [tilespmem:s12], [sflag:$0x1], $0x1, s24, s11, $0xb8;
	[tilespmem:$0x2E78] =	vst v63  }
0x23: {  	s25 =	simm.s32 $0x318  }
0x24: {  	[spmem:s1] =	stream.indirect.scatter.add.f32 [tilespmem:s12], [sflag:$0x1], $0x1, s25, s11, $0xb8;
	[tilespmem:$0x2E78] =	vst v63  }
0x25: {  	s26 =	simm.s32 $0x368  }
0x26: {  	[spmem:s1] =	stream.indirect.scatter.add.f32 [tilespmem:s12], [sflag:$0x1], $0x1, s26, s11, $0xb8;
	[tilespmem:$0x2E78] =	vst v63  }
0x27: {  	s28 =	simm.s32 $0x3B8  }
0x28: {  	[spmem:s1] =	stream.indirect.scatter.add.f32 [tilespmem:s12], [sflag:$0x1], $0x1, s28, s11, $0xb8;
	[tilespmem:$0x2E78] =	vst v63  }
0x29: {  	s29 =	simm.s32 $0x408  }
0x2a: {  	[spmem:s1] =	stream.indirect.scatter.add.f32 [tilespmem:s12], [sflag:$0x1], $0x1, s29, s11, $0xb8;
	[tilespmem:$0x2E78] =	vst v63  }
0x2b: {  	s30 =	simm.s32 $0x458  }
0x2c: {  	[spmem:s1] =	stream.indirect.scatter.add.f32 [tilespmem:s12], [sflag:$0x1], $0x1, s30, s11, $0xb8;
	[tilespmem:$0x2E78] =	vst v63  }
0x2d: {  	s31 =	simm.s32 $0x4A8  }
0x2e: {  	[spmem:s1] =	stream.indirect.scatter.add.f32 [tilespmem:s12], [sflag:$0x1], $0x1, s31, s11, $0xb8;
	[tilespmem:$0x2E78] =	vst v63  }
0x2f: {  	_ =	swait.ge [sflag:s13], $0x50  }
0x30: {  	[sflag:s13] =	ssyncset.done $0x0  }
0x31: {  	[sflag:s13] =	ssyncadd.s32 $0xFFFFFFB0  }
0x32: {  	_ =	swait.ge [sflag:s13], $0x50  }
0x33: {  	[sflag:s13] =	ssyncset.done $0x0  }
0x34: {  	[sflag:s13] =	ssyncadd.s32 $0xFFFFFFB0  }
0x35: {  	_ =	swait.ge [sflag:s13], $0x50  }
0x36: {  	[sflag:s13] =	ssyncset.done $0x0  }
0x37: {  	[sflag:s13] =	ssyncadd.s32 $0xFFFFFFB0  }
0x38: {  	_ =	swait.ge [sflag:s13], $0x50  }
0x39: {  	[sflag:s13] =	ssyncset.done $0x0  }
0x3a: {  	[sflag:s13] =	ssyncadd.s32 $0xFFFFFFB0  }
0x3b: {  	_ =	swait.ge [sflag:s13], $0x50  }
0x3c: {  	[sflag:s13] =	ssyncset.done $0x0  }
0x3d: {  	[sflag:s13] =	ssyncadd.s32 $0xFFFFFFB0  }
0x3e: {  	_ =	swait.ge [sflag:s13], $0x50  }
0x3f: {  	[sflag:s13] =	ssyncset.done $0x0  }
0x40: {  	[sflag:s13] =	ssyncadd.s32 $0xFFFFFFB0  }
0x41: {  	_ =	swait.ge [sflag:s13], $0x50  }
0x42: {  	[sflag:s13] =	ssyncset.done $0x0  }
0x43: {  	[sflag:s13] =	ssyncadd.s32 $0xFFFFFFB0  }
0x44: {  	_ =	swait.ge [sflag:s13], $0x50  }
0x45: {  	s22 =	simm.s32 $0x280;
	s23 =	simm.s32 $0x1400;
	[sflag:s13] =	ssyncset.done $0x0  }
.LBB2_2:
0x46: {  	s24 =	sadd.s32 $0x278, s22  }
0x47: {  	[sflag:s13] =	ssyncadd.s32 $0xFFFFFFB0;
	s21 =	smov.u32 s23;
	s20 =	sadd.s32 $0xA00, s23  }
0x48: {  	[spmem:s1] =	stream.indirect.scatter.add.f32 [tilespmem:s12], [sflag:$0x1], $0x1, s24, s11, $0xb8;
	[tilespmem:$0x2E78] =	vst v63  }
0x49: {  	p2 =	sne.s32 s23, $0x8C00;
	s23 =	sadd.s32 $0x2C8, s22  }
0x4a: {  	[spmem:s1] =	stream.indirect.scatter.add.f32 [tilespmem:s12], [sflag:$0x1], $0x1, s23, s11, $0xb8;
	[tilespmem:$0x2E78] =	vst v63  }
0x4b: {  	s23 =	sadd.s32 $0x318, s22  }
0x4c: {  	[spmem:s1] =	stream.indirect.scatter.add.f32 [tilespmem:s12], [sflag:$0x1], $0x1, s23, s11, $0xb8;
	[tilespmem:$0x2E78] =	vst v63  }
0x4d: {  	s23 =	sadd.s32 $0x368, s22  }
0x4e: {  	[spmem:s1] =	stream.indirect.scatter.add.f32 [tilespmem:s12], [sflag:$0x1], $0x1, s23, s11, $0xb8;
	[tilespmem:$0x2E78] =	vst v63  }
0x4f: {  	s23 =	sadd.s32 $0x3B8, s22  }
0x50: {  	[spmem:s1] =	stream.indirect.scatter.add.f32 [tilespmem:s12], [sflag:$0x1], $0x1, s23, s11, $0xb8;
	[tilespmem:$0x2E78] =	vst v63  }
0x51: {  	s23 =	sadd.s32 $0x408, s22  }
0x52: {  	[spmem:s1] =	stream.indirect.scatter.add.f32 [tilespmem:s12], [sflag:$0x1], $0x1, s23, s11, $0xb8;
	[tilespmem:$0x2E78] =	vst v63  }
0x53: {  	s23 =	sadd.s32 $0x458, s22  }
0x54: {  	[spmem:s1] =	stream.indirect.scatter.add.f32 [tilespmem:s12], [sflag:$0x1], $0x1, s23, s11, $0xb8;
	[tilespmem:$0x2E78] =	vst v63  }
0x55: {  	s22 =	sadd.s32 $0x4A8, s22  }
0x56: {  	[spmem:s1] =	stream.indirect.scatter.add.f32 [tilespmem:s12], [sflag:$0x1], $0x1, s22, s11, $0xb8;
	[tilespmem:$0x2E78] =	vst v63  }
0x57: {  	_ =	swait.ge [sflag:s13], $0x50  }
0x58: {  	[sflag:s13] =	ssyncset.done $0x0  }
0x59: {  	[sflag:s13] =	ssyncadd.s32 $0xFFFFFFB0  }
0x5a: {  	_ =	swait.ge [sflag:s13], $0x50  }
0x5b: {  	[sflag:s13] =	ssyncset.done $0x0  }
0x5c: {  	[sflag:s13] =	ssyncadd.s32 $0xFFFFFFB0  }
0x5d: {  	_ =	swait.ge [sflag:s13], $0x50  }
0x5e: {  	[sflag:s13] =	ssyncset.done $0x0  }
0x5f: {  	[sflag:s13] =	ssyncadd.s32 $0xFFFFFFB0  }
0x60: {  	_ =	swait.ge [sflag:s13], $0x50  }
0x61: {  	[sflag:s13] =	ssyncset.done $0x0  }
0x62: {  	[sflag:s13] =	ssyncadd.s32 $0xFFFFFFB0  }
0x63: {  	_ =	swait.ge [sflag:s13], $0x50  }
0x64: {  	[sflag:s13] =	ssyncset.done $0x0  }
0x65: {  	[sflag:s13] =	ssyncadd.s32 $0xFFFFFFB0  }
0x66: {  	_ =	swait.ge [sflag:s13], $0x50  }
0x67: {  	[sflag:s13] =	ssyncset.done $0x0  }
0x68: {  	[sflag:s13] =	ssyncadd.s32 $0xFFFFFFB0  }
.Ltmp0:
0x69: {  	_ =	swait.ge [sflag:s13], $0x50;
	(pc) =	sbr.rel @p2 .LBB2_2-.Ltmp0, $4  }
0x6a: {  	[sflag:s13] =	ssyncset.done $0x0  }
0x6b: {  	[sflag:s13] =	ssyncadd.s32 $0xFFFFFFB0  }
0x6c: {  	_ =	swait.ge [sflag:s13], $0x50  }
0x6d: {  	s23 =	smov.u32 s20;
	s22 =	sshra.s32 s21, $0x2;
	[sflag:s13] =	ssyncset.done $0x0  }
0x6e: {  	s20 =	sadd.s32 $0x278, s22;
	[sflag:s13] =	ssyncadd.s32 $0xFFFFFFB0  }
0x6f: {  	[spmem:s1] =	stream.indirect.scatter.add.f32 [tilespmem:s12], [sflag:$0x1], $0x1, s20, s11, $0xb8;
	[tilespmem:$0x2E78] =	vst v63  }
0x70: {  	s24 =	sadd.s32 $0x2C8, s22  }
0x71: {  	[spmem:s1] =	stream.indirect.scatter.add.f32 [tilespmem:s12], [sflag:$0x1], $0x1, s24, s11, $0xb8;
	[tilespmem:$0x2E78] =	vst v63  }
0x72: {  	s25 =	sadd.s32 $0x318, s22  }
0x73: {  	[spmem:s1] =	stream.indirect.scatter.add.f32 [tilespmem:s12], [sflag:$0x1], $0x1, s25, s11, $0xb8;
	[tilespmem:$0x2E78] =	vst v63  }
0x74: {  	s26 =	sadd.s32 $0x368, s22  }
0x75: {  	[spmem:s1] =	stream.indirect.scatter.add.f32 [tilespmem:s12], [sflag:$0x1], $0x1, s26, s11, $0xb8;
	[tilespmem:$0x2E78] =	vst v63  }
0x76: {  	s28 =	sadd.s32 $0x3B8, s22  }
0x77: {  	[spmem:s1] =	stream.indirect.scatter.add.f32 [tilespmem:s12], [sflag:$0x1], $0x1, s28, s11, $0xb8;
	[tilespmem:$0x2E78] =	vst v63  }
0x78: {  	s29 =	sadd.s32 $0x408, s22  }
0x79: {  	[spmem:s1] =	stream.indirect.scatter.add.f32 [tilespmem:s12], [sflag:$0x1], $0x1, s29, s11, $0xb8;
	[tilespmem:$0x2E78] =	vst v63  }
0x7a: {  	s30 =	sadd.s32 $0x458, s22  }
0x7b: {  	[spmem:s1] =	stream.indirect.scatter.add.f32 [tilespmem:s12], [sflag:$0x1], $0x1, s30, s11, $0xb8;
	[tilespmem:$0x2E78] =	vst v63  }
0x7c: {  	s31 =	sadd.s32 $0x4A8, s22  }
0x7d: {  	[spmem:s1] =	stream.indirect.scatter.add.f32 [tilespmem:s12], [sflag:$0x1], $0x1, s31, s11, $0xb8;
	[tilespmem:$0x2E78] =	vst v63  }
0x7e: {  	_ =	swait.ge [sflag:s13], $0x50  }
0x7f: {  	[sflag:s13] =	ssyncset.done $0x0  }
0x80: {  	[sflag:s13] =	ssyncadd.s32 $0xFFFFFFB0  }
0x81: {  	_ =	swait.ge [sflag:s13], $0x50  }
0x82: {  	[sflag:s13] =	ssyncset.done $0x0  }
0x83: {  	[sflag:s13] =	ssyncadd.s32 $0xFFFFFFB0  }
0x84: {  	_ =	swait.ge [sflag:s13], $0x50  }
0x85: {  	[sflag:s13] =	ssyncset.done $0x0  }
0x86: {  	[sflag:s13] =	ssyncadd.s32 $0xFFFFFFB0  }
0x87: {  	_ =	swait.ge [sflag:s13], $0x50  }
0x88: {  	[sflag:s13] =	ssyncset.done $0x0  }
0x89: {  	[sflag:s13] =	ssyncadd.s32 $0xFFFFFFB0  }
0x8a: {  	_ =	swait.ge [sflag:s13], $0x50  }
0x8b: {  	[sflag:s13] =	ssyncset.done $0x0  }
0x8c: {  	[sflag:s13] =	ssyncadd.s32 $0xFFFFFFB0  }
0x8d: {  	_ =	swait.ge [sflag:s13], $0x50  }
0x8e: {  	[sflag:s13] =	ssyncset.done $0x0  }
0x8f: {  	[sflag:s13] =	ssyncadd.s32 $0xFFFFFFB0  }
0x90: {  	_ =	swait.ge [sflag:s13], $0x50  }
0x91: {  	[sflag:s13] =	ssyncset.done $0x0  }
0x92: {  	[sflag:s13] =	ssyncadd.s32 $0xFFFFFFB0  }
0x93: {  	_ =	swait.ge [sflag:s13], $0x50  }
0x94: {  	[sflag:s13] =	ssyncset.done $0x0  }
0x95: {  	[sflag:s13] =	ssyncadd.s32 $0xFFFFFFB0  }
0x96: {  	[spmem:s1] =	stream.indirect.scatter.add.f32 [tilespmem:s12], [sflag:$0x1], $0x1, s14, s11, $0xb8;
	[tilespmem:$0x2E78] =	vst v63  }
0x97: {  	_ = 	snop  }
0x98: {  	[spmem:s1] =	stream.indirect.scatter.add.f32 [tilespmem:s12], [sflag:$0x1], $0x1, s15, s11, $0xb8;
	[tilespmem:$0x2E78] =	vst v63  }
0x99: {  	_ = 	snop  }
0x9a: {  	[spmem:s1] =	stream.indirect.scatter.add.f32 [tilespmem:s12], [sflag:$0x1], $0x1, s16, s11, $0xb8;
	[tilespmem:$0x2E78] =	vst v63  }
0x9b: {  	_ = 	snop  }
0x9c: {  	[spmem:s1] =	stream.indirect.scatter.add.f32 [tilespmem:s12], [sflag:$0x1], $0x1, s17, s11, $0xb8;
	[tilespmem:$0x2E78] =	vst v63  }
0x9d: {  	_ = 	snop  }
0x9e: {  	[spmem:s1] =	stream.indirect.scatter.add.f32 [tilespmem:s12], [sflag:$0x1], $0x1, s18, s11, $0xb8;
	[tilespmem:$0x2E78] =	vst v63  }
0x9f: {  	_ =	swait.ge [sflag:s13], $0x50  }
0xa0: {  	[sflag:s13] =	ssyncset.done $0x0  }
0xa1: {  	[sflag:s13] =	ssyncadd.s32 $0xFFFFFFB0  }
0xa2: {  	_ =	swait.ge [sflag:s13], $0x50  }
0xa3: {  	[sflag:s13] =	ssyncset.done $0x0  }
0xa4: {  	[sflag:s13] =	ssyncadd.s32 $0xFFFFFFB0  }
0xa5: {  	_ =	swait.ge [sflag:s13], $0x50  }
0xa6: {  	[sflag:s13] =	ssyncset.done $0x0  }
0xa7: {  	[sflag:s13] =	ssyncadd.s32 $0xFFFFFFB0  }
0xa8: {  	_ =	swait.ge [sflag:s13], $0x50  }
0xa9: {  	[sflag:s13] =	ssyncset.done $0x0  }
0xaa: {  	[sflag:s13] =	ssyncadd.s32 $0xFFFFFFB0  }
0xab: {  	_ =	swait.ge [sflag:s13], $0x50  }
0xac: {  	[sflag:s13] =	ssyncset.done $0x0  }
0xad: {  	[sflag:s13] =	ssyncadd.s32 $0xFFFFFFB0  }
0xae: {  	s21 =	simm.s32 @!p1 $0x2;
	s20 =	simm.s32 @!p1 $0x2A78;
	[bflag:$0x0] =	sbarrier.arrive $0xFFFF  }
0xaf: {  	[tilespmem:s20], [sflag:$0x2] =	stream.linear.gather @!p1 [spmem:s5], $0x3E8, $0x38;
	[tilespmem:$0x2E78] =	vst v63  }
0xb0: {  	s19 =	sadd.s32 $0x1, s19;
	_ =	swait.ge @!p1 [sflag:s21], $0x3E8  }
0xb1: {  	p2 =	sne.s32 s19, s7;
	[sflag:s21] =	ssyncset.done @!p1 $0x0  }
.Ltmp1:
0xb2: {  	s22 =	simm.s32 @!p1 $0x0;
	[sflag:s21] =	ssyncadd.s32 @!p1 $0xFFFFFC18;
	(pc) =	sbr.rel @p2 .LBB2_1-.Ltmp1, $4  }
0xb3: {  	[hbm4b:s6+s22] =	stream.linear.scatter @!p1 [tilespmem:s20], [sflag:$0x2], $0x3E8, $0x38;
	[tilespmem:$0x2E78] =	vst v63  }
0xb4: {  	_ =	swait.ge @!p1 [sflag:s21], $0x3E8  }
0xb5: {  	[sflag:s21] =	ssyncset.done @!p1 $0x0  }
0xb6: {  	[sflag:s21] =	ssyncadd.s32 @!p1 $0xFFFFFC18  }
0xb7: {  	_ =	sfence.sel $0x180000  }
0xb8: {  	[bflag:$0x0] =	sbarrier.arrive $0xFFFF  }
0xb9: {  	_ =	strace $0x90000047  }
0xba: {  	s0 =	sadd.s32 @!p0 $0x100000, s0;
	[bflag:$0x2] =	sbarrier.arrive $0xFFFF  }
0xbb: {  	[sflag:s0] =	ssyncadd.tile.s32 @!p0 $0x1;
	_ =	shalt  }
.Lfunc_end2:
_tile_overlayer_lowered:
.L_overlay_start_2:
0xbc: {  	(tag) =	ssettag $0x2  }
0xbd: {  	s0 =	rddreg [dreg:$0x0];
	s2 =	stileid.u32  }
0xbe: {  	s1 =	rddreg [dreg:$0x1];
	p0 =	sne.s32 s2, $0x0  }
0xbf: {  	s3 =	rddreg [dreg:$0x2];
	[bflag:$0x3] =	sbarrier.arrive $0xFFFF;
	s2 =	simm.s32 @!p0 $0x1C02  }
0xc0: {  	[timem:s3], [sflag:s2] =	dma.local @!p0 [hbm:s0], s1  }
0xc1: {  	s0 =	simm.s32 @!p0 $0x2  }
0xc2: {  	_ =	swait.ge @!p0 [sflag:s0], s1  }
0xc3: {  	s1 =	ssub.s32 @!p0 $0x0, s1;
	[sflag:s0] =	ssyncset.done @!p0 $0x0  }
0xc4: {  	[sflag:s0] =	ssyncadd.s32 @!p0 s1  }
0xc5: {  	[bflag:$0x3] =	sbarrier.arrive $0xFFFF  }
0xc6: {  	_ =	shalt  }

// kernel: kernel.9.cloned.1.call-start
scs
__scs_entry_jumppad:
0x0: {  	(pc) =	sbr.rel $0x88, $3  }
0x1: {  	(tag) =	ssettag $0x0;
	lr =	simm.s32 $0x1  }
0x2: {  	[smem:$0x3F97] =	sst lr;
	_ =	strace $0xD0000000  }
0x3: {  	_ = 	snop  }
0x4: {  	_ = 	snop  }
0x5: {  	_ = 	snop  }
0x6: {  	_ = 	snop  }
0x7: {  	_ = 	snop  }
__scs_overlays_trampoline_lowered:
0x8: {  	[smem:$0x3FA6] =	sst s0  }
0x9: {  	[smem:$0x3FA7] =	sst s1  }
0xa: {  	[smem:$0x3FA8] =	sst s2  }
0xb: {  	[smem:$0x3FA9] =	sst s3  }
0xc: {  	[smem:$0x3FAA] =	sst s4  }
0xd: {  	[smem:$0x3FAB] =	sst s5  }
0xe: {  	[smem:$0x3FAC] =	sst s6  }
0xf: {  	[smem:$0x3FAD] =	sst s7  }
0x10: {  	[smem:$0x3FAE] =	sst s8  }
0x11: {  	[smem:$0x3FAF] =	sst s9;
	s0 =	simm.s32 @!p0 $0x0  }
0x12: {  	s1 =	sld [smem:$0x3F95];
	s0 =	simm.s32 @p0 $0x1  }
0x13: {  	[smem:$0x3FB0] =	sst s0;
	s0 =	simm.s32 @!p1 $0x0  }
0x14: {  	s2 =	sld [smem:$0x3F94];
	s0 =	simm.s32 @p1 $0x1  }
0x15: {  	[smem:$0x3FB1] =	sst s0;
	s0 =	simm.s32 @!p2 $0x0  }
0x16: {  	s3 =	sld [smem:$0x3FDB];
	s0 =	simm.s32 @p2 $0x1  }
0x17: {  	s4 =	simm.s32 $0x1BF5;
	[smem:$0x3FB3] =	sst s0  }
0x18: {  	s0 =	sld [smem:$0x3F96];
	_ =	swait.ge [sflag:s4], $0x0  }
0x19: {  	s7 =	sld [smem:$0x3F97]  }
0x1a: {  	s8 =	sadd.s32 $0xFFFFE003, lr  }
0x1b: {  	s9 =	sadd.s32 $0xFFFFFEF7, lr;
	s5 =	simm.s32 $0xFFFFFFFF;
	p2 =	slt.u32 s8, $0xFFFFF086  }
0x1c: {  	p1 =	slt.u32 s9, $0xF7A;
	s5 =	simm.s32 @!p2 $0x0  }
0x1d: {  	s5 =	simm.s32 @p1 $0x1;
	p0 =	seq.s32 s7, s2  }
0x1e: {  	s7 =	smul.u32 @!p0 $0xF7A, s2;
	p2 =	seq.s32 @!p0 s5, $0x0  }
0x1f: {  	s9 =	smul.u32 $0xF7A, s1;
	s8 =	simm.s32 @!p0 $0x1BF5;
	p2 =	por !p2, p0  }
0x20: {  	[sflag:s8] =	ssyncset.s32 @!p0 $0xFFFFF086;
	s6 =	sadd.s32 @!p0 s3, s7;
	s7 =	simm.s32 @!p0 $0x108  }
0x21: {  	s3 =	sadd.s32 s3, s9;
	s6 =	sadd.s32 @!p0 $0x88, s6;
	s7 =	simm.s32 @p2 $0x1082  }
0x22: {  	[simem:s7], [sflag:s8] =	dma.local @!p0 [hbm:s6], $0xF7A  }
0x23: {  	s9 =	sor.u32 $0xD0000000, s2;
	s6 =	simm.s32 $0x108;
	_ =	swait.ge @!p0 [sflag:s8], $0x0  }
0x24: {  	s3 =	sadd.s32 $0x88, s3;
	s6 =	simm.s32 @!p1 $0x1082;
	[sflag:s4] =	ssyncset.s32 $0xFFFFF086  }
0x25: {  	[simem:s6], [sflag:s4] =	dma.local [hbm:s3], $0xF7A  }
0x26: {  	[smem:$0x3F97] =	sst s1;
	(tag) =	ssettag s2;
	_ =	strace s9  }
0x27: {  	s1 =	sld [smem:$0x3FA7]  }
0x28: {  	s2 =	sld [smem:$0x3FA8]  }
0x29: {  	s4 =	sld [smem:$0x3FAA]  }
0x2a: {  	p0 =	seq.s32 s5, $0x0;
	s5 =	sld [smem:$0x3FAB]  }
0x2b: {  	s6 =	sld [smem:$0x3FAC]  }
0x2c: {  	s7 =	sld [smem:$0x3FAD]  }
0x2d: {  	s3 =	simm.s32 $0x108;
	s8 =	sld [smem:$0x3FAE]  }
0x2e: {  	s3 =	simm.s32 @!p0 $0x1082;
	s9 =	sld [smem:$0x3FAF]  }
0x2f: {  	lr =	sadd.s32 s0, s3;
	s0 =	sld [smem:$0x3FA6]  }
0x30: {  	s3 =	sld [smem:$0x3FA9]  }
0x31: {  	[smem:$0x3FB2] =	sst s10  }
0x32: {  	s10 =	sld [smem:$0x3FB0];
	_ =	sdelay $0x3  }
0x33: {  	p0 =	seq.s32 s10, $0x1;
	s10 =	sld [smem:$0x3FB2];
	_ =	sdelay $0x3  }
0x34: {  	[smem:$0x3FB2] =	sst s10  }
0x35: {  	s10 =	sld [smem:$0x3FB1];
	_ =	sdelay $0x3  }
0x36: {  	p1 =	seq.s32 s10, $0x1;
	s10 =	sld [smem:$0x3FB2];
	_ =	sdelay $0x3  }
0x37: {  	[smem:$0x3FB2] =	sst s10  }
0x38: {  	s10 =	sld [smem:$0x3FB3]  }
0x39: {  	_ = 	snop;
	(pc) =	sbr.ind lr, $3  }
0x3a: {  	_ = 	snop  }
0x3b: {  	_ = 	snop  }
0x3c: {  	p2 =	seq.s32 s10, $0x1;
	s10 =	sld [smem:$0x3FB2]  }
0x3d: {  	_ =	shalt  }
0x3e: {  	_ =	shalt  }
0x3f: {  	_ =	shalt  }
0x40: {  	_ =	shalt  }
0x41: {  	_ =	shalt  }
0x42: {  	_ =	shalt  }
0x43: {  	_ =	shalt  }
0x44: {  	_ =	shalt  }
0x45: {  	_ =	shalt  }
0x46: {  	_ =	shalt  }
0x47: {  	_ =	shalt  }
0x48: {  	_ =	shalt  }
0x49: {  	_ =	shalt  }
0x4a: {  	_ =	shalt  }
0x4b: {  	_ =	shalt  }
0x4c: {  	_ =	shalt  }
0x4d: {  	_ =	shalt  }
0x4e: {  	_ =	shalt  }
0x4f: {  	_ =	shalt  }
0x50: {  	_ =	shalt  }
0x51: {  	_ =	shalt  }
0x52: {  	_ =	shalt  }
0x53: {  	_ =	shalt  }
0x54: {  	_ =	shalt  }
0x55: {  	_ =	shalt  }
0x56: {  	_ =	shalt  }
0x57: {  	_ =	shalt  }
0x58: {  	_ =	shalt  }
0x59: {  	_ =	shalt  }
0x5a: {  	_ =	shalt  }
0x5b: {  	_ =	shalt  }
0x5c: {  	_ =	shalt  }
0x5d: {  	_ =	shalt  }
0x5e: {  	_ =	shalt  }
0x5f: {  	_ =	shalt  }
0x60: {  	_ =	shalt  }
0x61: {  	_ =	shalt  }
0x62: {  	_ =	shalt  }
0x63: {  	_ =	shalt  }
0x64: {  	_ =	shalt  }
0x65: {  	_ =	shalt  }
0x66: {  	_ =	shalt  }
0x67: {  	_ =	shalt  }
0x68: {  	_ =	shalt  }
0x69: {  	_ =	shalt  }
0x6a: {  	_ =	shalt  }
0x6b: {  	_ =	shalt  }
0x6c: {  	_ =	shalt  }
0x6d: {  	_ =	shalt  }
0x6e: {  	_ =	shalt  }
0x6f: {  	_ =	shalt  }
0x70: {  	_ =	shalt  }
0x71: {  	_ =	shalt  }
0x72: {  	_ =	shalt  }
0x73: {  	_ =	shalt  }
0x74: {  	_ =	shalt  }
0x75: {  	_ =	shalt  }
0x76: {  	_ =	shalt  }
0x77: {  	_ =	shalt  }
0x78: {  	_ =	shalt  }
0x79: {  	_ =	shalt  }
0x7a: {  	_ =	shalt  }
0x7b: {  	_ =	shalt  }
0x7c: {  	_ =	shalt  }
0x7d: {  	_ =	shalt  }
0x7e: {  	_ =	shalt  }
0x7f: {  	_ =	shalt  }
0x80: {  	_ =	shalt  }
0x81: {  	_ =	shalt  }
0x82: {  	_ =	shalt  }
0x83: {  	_ =	shalt  }
0x84: {  	_ =	shalt  }
0x85: {  	_ =	shalt  }
0x86: {  	_ =	shalt  }
0x87: {  	_ =	shalt  }
.Lfunc_end0:
.L_simem_size_0:
called_computation.1_lowered:
.L_overlay_start_0:
0x88: {  	s2 =	sld [smem:$0x3FD9]  }
0x89: {  	s3 =	sld [smem:$0x3FFE];
	_ =	sdelay $0x1  }
0x8a: {  	s1 =	srdreg.scid  }
0x8b: {  	s0 =	sand.u32 $0x1, s1  }
0x8c: {  	s17 =	sshll.u32 s0, $0xA;
	s2 =	sadd.s32 s3, s2  }
0x8d: {  	s2 =	sadd.s32 s2, s17  }
0x8e: {  	[smem:$0x3FBE] =	sst s2  }
0x8f: {  	_ = 	snop  }
0x90: {  	s2 =	sld [smem:$0x3FD0];
	(tm) =	ssettm $0x1  }
0x91: {  	s18 =	sld [smem:$0x3FFB];
	_ =	sdelay $0x3  }
0x92: {  	_ =	strace s18  }
0x93: {  	s3 =	sld [smem:$0x3FFC];
	_ =	sdelay $0x3  }
0x94: {  	_ =	strace s3  }
0x95: {  	s3 =	sld [smem:$0x3FFD];
	_ =	sdelay $0x3  }
0x96: {  	_ =	strace s3  }
0x97: {  	_ =	strace $0x8FFFFFFF  }
0x98: {  	s19 =	sld [smem:$0x3FDB];
	_ =	sdelay $0x1  }
0x99: {  	s4 =	simm.s32 $_scs_section_size  }
0x9a: {  	s5 =	simm.s32 $_size__tile_overlayer_lowered;
	s6 =	simm.s32 $_tile_overlayer_lowered  }
0x9b: {  	s22 =	simm.s32 $0x1BFF;
	s21 =	sshll.u32 s6, $0x1;
	s3 =	sadd.s32 s4, s19  }
0x9c: {  	s7 =	simm.s32 $0x0;
	s20 =	sshll.u32 s5, $0x1;
	s5 =	sadd.s32 s21, s3  }
0x9d: {  	[timem:s7], [sflag:s22] =	dma.local [hbm:s5], s20  }
0x9e: {  	_ =	swait.ge [sflag:s22], s20  }
0x9f: {  	s4 =	ssub.s32 $0x0, s20;
	[sflag:s22] =	ssyncset.done $0x0  }
0xa0: {  	[sflag:s22] =	ssyncadd.s32 s4;
	_ =	sdelay $0x1  }
0xa1: {  	s23 =	simm.s32 $0x1B8B  }
0xa2: {  	_ =	swait.ge [sflag:s23], $0x1  }
0xa3: {  	[sflag:s23] =	ssyncset.done $0x0  }
0xa4: {  	s25 =	simm.s32 $0x1B8E;
	s24 =	sld [smem:$0x3FFE];
	[sflag:s23] =	ssyncadd.s32 $0xFFFFFFFF  }
0xa5: {  	s26 =	simm.s32 $execute0_lowered;
	[smem:$0x3FD2] =	sst s25  }
0xa6: {  	s5 =	sshll.u32 s26, $0x1;
	_ =	strace $0x80000049;
	[dreg:$0x1] =	wrdreg $0xFFFFFFFF  }
0xa7: {  	s28 =	simm.s32 $_size_execute0_lowered;
	s3 =	sadd.s32 s3, s5;
	[dreg:$0x0] =	wrdreg $0x0  }
0xa8: {  	s5 =	sshll.u32 s28, $0x1;
	[dreg:$0x2] =	wrdreg s3  }
0xa9: {  	[dreg:$0x3] =	wrdreg s5  }
0xaa: {  	[dreg:$0x4] =	wrdreg $0xC0  }
0xab: {  	_ =	task [dreg:s7], $0x5FFFF  }
0xac: {  	[dreg:$0x1] =	wrdreg $0xFFFFFFFF  }
0xad: {  	[dreg:$0x0] =	wrdreg $0x60  }
0xae: {  	[dreg:$0x2] =	wrdreg s24  }
0xaf: {  	[dreg:$0x3] =	wrdreg s2  }
0xb0: {  	[dreg:$0x4] =	wrdreg $0x0  }
0xb1: {  	[dreg:$0x5] =	wrdreg $0x9  }
0xb2: {  	_ =	task.clear_ibuf [dreg:s7], $0x6FFFF;
	_ =	strace $0x90000049  }
0xb3: {  	s29 =	simm.s32 $0x9;
	_ =	strace $0x8000004B  }
0xb4: {  	_ =	swait.ge [sflag:s29], $0x1  }
0xb5: {  	[sflag:s29] =	ssyncadd.s32 $0xFFFFFFFF  }
0xb6: {  	_ =	strace $0x9000004B  }
0xb7: {  	_ =	sfence  }
0xb8: {  	s30 =	sld [smem:$0x0];
	_ =	sdelay $0x2  }
0xb9: {  	s31 =	sshll.u32 s1, $0xD;
	s1 =	sshrl.u32 s1, $0x2  }
0xba: {  	s3 =	sand.u32 $0x4000, s31;
	s1 =	sadd.s32 s1, s30  }
0xbb: {  	s0 =	sor.u32 s3, s0;
	s1 =	sshll.u32 s1, $0x11  }
0xbc: {  	s0 =	sor.u32 s1, s0  }
0xbd: {  	s0 =	sadd.s32 $0x8F2B, s0  }
0xbe: {  	[sflag:s0] =	ssyncadd.remote.s32 $0x1  }
0xbf: {  	_ =	sfence.sel $0xFFFF  }
0xc0: {  	[dreg:$0x0] =	wrdreg $0xFFFFFFFF;
	(pc) =	sbr.abs _section_cstart, $3  }
0xc1: {  	[dreg:$0x1] =	wrdreg $0xFFFFFFFF  }
0xc2: {  	_ =	task.clear_ibuf [dreg:s7], $0x2FFFF;
	_ =	strace $0x9FFFFFFF  }
0xc3: {  	(tm) =	ssettm $0x7FFFFFFF  }
tec
execute0_lowered:
.L_overlay_start_1:
0x0: {  	(tag) =	ssettag $0x1  }
0x1: {  	s0 =	rddreg [dreg:$0x0]  }
0x2: {  	s1 =	rddreg [dreg:$0x1]  }
0x3: {  	s3 =	stileid.u32;
	s2 =	rddreg [dreg:$0x2];
	s5 =	simm.s32 $0x0  }
0x4: {  	s26 =	srdreg.scid;
	s15 =	simm.s32 $0x7;
	s16 =	simm.s32 $0x16000  }
0x5: {  	s17 =	simm.s32 $0x1;
	s18 =	simm.s32 $0x50;
	s19 =	simm.s32 $0x18780  }
0x6: {  	s20 =	simm.s32 $0x4;
	s21 =	simm.s32 $0x2;
	s23 =	simm.s32 $0x1AF80  }
0x7: {  	s24 =	simm.s32 $0x5;
	s25 =	simm.s32 $0x3;
	s28 =	simm.s32 $0x1D780  }
0x8: {  	s29 =	simm.s32 $0x6;
	s30 =	simm.s32 $0x0;
	s4 =	smul.u32 $0x2710, s3  }
0x9: {  	[smem:$0x7FF] =	sst s5;
	s9 =	sand.u32 $0x1, s26;
	s6 =	smul.u32 $0x7D000, s3  }
0xa: {  	s5 =	sadd.s32 $0x33200, s0;
	s13 =	smul.u32 $0x3E80, s3;
	p1 =	sgt.u32 s3, $0x9  }
0xb: {  	_ =	strace $0x8000004A;
	s7 =	ssub.s32 $0x2, s9;
	s10 =	smul.u32 $0x27100, s9  }
0xc: {  	p0 =	seq.s32 s9, $0x0;
	s4 =	sshrl.u32 s4, $0x3;
	s11 =	sshrl.u32 s7, $0x1  }
0xd: {  	s12 =	sshrl.u32 s6, $0x2;
	s8 =	sadd.s32 s4, s0;
	s4 =	sadd.s32 $0xC000, s0  }
.Ltmp0:
0xe: {  	s0 =	sadd.s32 $0x5A400, s0;
	s31 =	ssub.s32 s7, s11;
	(pc) =	sbr.rel .LBB2_1-.Ltmp0, $4  }
0xf: {  	s14 =	sadd.s32 s12, s2;
	s10 =	sadd.s32 s13, s10;
	[dreg:$0x4] =	wrdreg s0  }
0x10: {  	s7 =	sadd.s32 $0x2200, s8;
	s8 =	sadd.s32 $0x7020, s8;
	s9 =	sadd.s32 s1, s10  }
0x11: {  	s10 =	smov.u32 s5;
	s11 =	smax.u32 s31, $0x1;
	s0 =	sshll.u32 @!p1 s3, $0x6  }
0x12: {  	s13 =	sshrl.u32 @!p1 s14, $0x3;
	s10 =	smov.u32 @p0 s4;
	s12 =	sor.u32 @!p1 $0x1C07, s0  }
.LBB2_4:
0x13: {  	_ =	swait.ge [sflag:s21], $0x2800  }
0x14: {  	[sflag:s21] =	ssyncset.done $0x0  }
0x15: {  	[sflag:s21] =	ssyncadd.s32 $0xFFFFD800  }
0x16: {  	[spmem:s2] =	stream.indirect.scatter.add.f32 [tilespmem:s23], [sflag:$0x5], $0x80, s0, s18, $0xb8;
	[tilespmem:$0x1FF80] =	vst v63  }
0x17: {  	_ =	swait.ge [sflag:s24], $0x2800  }
0x18: {  	s30 =	sadd.s32 $0x1, s30;
	[sflag:s24] =	ssyncset.done $0x0  }
0x19: {  	p2 =	sne.s32 s30, s11;
	[sflag:s24] =	ssyncadd.s32 $0xFFFFD800  }
.Ltmp1:
0x1a: {  	s0 =	simm.s32 @!p1 $0x7;
	[bflag:$0x0] =	sbarrier.arrive $0xFFFF;
	(pc) =	sbr.rel @!p2 .LBB2_5-.Ltmp1, $4  }
0x1b: {  	[hbm:s9], [sflag:s12] =	dma.local @!p1 [spmem:s13], $0x3E80  }
0x1c: {  	_ =	swait.ge @!p1 [sflag:s0], $0x3E80  }
0x1d: {  	[sflag:s0] =	ssyncset.done @!p1 $0x0  }
0x1e: {  	[sflag:s0] =	ssyncadd.s32 @!p1 $0xFFFFC180  }
.LBB2_1:
0x1f: {  	s0 =	rddreg [dreg:$0x4]  }
0x20: {  	[spmem:s13], [sflag:s12] =	dma.local @!p1 [hbm:s0], $0x3E80  }
0x21: {  	s0 =	simm.s32 @!p1 $0x7  }
0x22: {  	_ =	swait.ge @!p1 [sflag:s0], $0x3E80  }
0x23: {  	[sflag:s0] =	ssyncset.done @!p1 $0x0  }
0x24: {  	s14 =	simm.s32 $0x0;
	s1 =	simm.s32 $0x13880;
	[sflag:s0] =	ssyncadd.s32 @!p1 $0xFFFFC180  }
0x25: {  	[tilespmem:s1], [sflag:$0x7] =	stream.linear.gather [hbm4b:s7+s14], $0x2710, $0x38;
	[tilespmem:$0x1FF80] =	vst v63  }
0x26: {  	_ =	swait.ge [sflag:s15], $0x2710  }
0x27: {  	[sflag:s15] =	ssyncset.done $0x0  }
0x28: {  	[sflag:s15] =	ssyncadd.s32 $0xFFFFD8F0  }
0x29: {  	[tilespmem:s16], [sflag:$0x7] =	stream.linear.gather [hbm4b:s8+s14], $0x2710, $0x38;
	[tilespmem:$0x1FF80] =	vst v63  }
0x2a: {  	_ =	swait.ge [sflag:s15], $0x2710  }
0x2b: {  	[sflag:s15] =	ssyncset.done $0x0  }
0x2c: {  	s31 =	simm.s32 @p0 $0x18780;
	[sflag:s15] =	ssyncadd.s32 $0xFFFFD8F0  }
0x2d: {  	s0 =	simm.s32 @p0 $0x50;
	s1 =	simm.s32 @p0 $0x13880;
	[bflag:$0x0] =	sbarrier.arrive $0xFFFF  }
0x2e: {  	[tilespmem:s31], [sflag:$0x1] =	stream.indirect.gather @p0 [hbm4b:s4+s0], $0x80, s1, s0, $0xb8;
	[tilespmem:$0x1FF80] =	vst v63  }
0x2f: {  	s14 =	simm.s32 @p0 $0x1AF80;
	s1 =	simm.s32 @p0 $0x138D0  }
0x30: {  	[tilespmem:s14], [sflag:$0x2] =	stream.indirect.gather @p0 [hbm4b:s4+s0], $0x80, s1, s0, $0xb8;
	[tilespmem:$0x1FF80] =	vst v63  }
0x31: {  	s22 =	simm.s32 @p0 $0x1D780;
	s1 =	simm.s32 @p0 $0x13920  }
0x32: {  	[tilespmem:s22], [sflag:$0x3] =	stream.indirect.gather @p0 [hbm4b:s4+s0], $0x80, s1, s0, $0xb8;
	[tilespmem:$0x1FF80] =	vst v63  }
0x33: {  	s26 =	simm.s32 @!p0 $0x18780;
	s1 =	simm.s32 @!p0 $0x50;
	s22 =	simm.s32 @!p0 $0x13880  }
0x34: {  	[tilespmem:s26], [sflag:$0x1] =	stream.indirect.gather @!p0 [hbm4b:s5+s1], $0x80, s22, s1, $0xb8;
	[tilespmem:$0x1FF80] =	vst v63  }
0x35: {  	s3 =	simm.s32 @!p0 $0x1AF80;
	s22 =	simm.s32 @!p0 $0x138D0  }
0x36: {  	[tilespmem:s3], [sflag:$0x2] =	stream.indirect.gather @!p0 [hbm4b:s5+s1], $0x80, s22, s1, $0xb8;
	[tilespmem:$0x1FF80] =	vst v63  }
0x37: {  	s6 =	simm.s32 @!p0 $0x1D780;
	s22 =	simm.s32 @!p0 $0x13920  }
0x38: {  	[tilespmem:s6], [sflag:$0x3] =	stream.indirect.gather @!p0 [hbm4b:s5+s1], $0x80, s22, s1, $0xb8;
	[tilespmem:$0x1FF80] =	vst v63  }
0x39: {  	_ =	swait.ge [sflag:s17], $0x2800  }
0x3a: {  	[sflag:s17] =	ssyncset.done $0x0  }
0x3b: {  	[sflag:s17] =	ssyncadd.s32 $0xFFFFD800  }
0x3c: {  	[spmem:s2] =	stream.indirect.scatter.add.f32 [tilespmem:s19], [sflag:$0x4], $0x80, s16, s18, $0xb8;
	[tilespmem:$0x1FF80] =	vst v63  }
0x3d: {  	_ =	swait.ge [sflag:s20], $0x2800  }
0x3e: {  	[sflag:s20] =	ssyncset.done $0x0  }
0x3f: {  	s6 =	simm.s32 @p0 $0x13970;
	[sflag:s20] =	ssyncadd.s32 $0xFFFFD800  }
0x40: {  	[tilespmem:s31], [sflag:$0x1] =	stream.indirect.gather @p0 [hbm4b:s4+s0], $0x80, s6, s0, $0xb8;
	[tilespmem:$0x1FF80] =	vst v63  }
0x41: {  	s6 =	simm.s32 @!p0 $0x13970  }
0x42: {  	[tilespmem:s26], [sflag:$0x1] =	stream.indirect.gather @!p0 [hbm4b:s5+s1], $0x80, s6, s1, $0xb8;
	[tilespmem:$0x1FF80] =	vst v63  }
0x43: {  	_ =	swait.ge [sflag:s21], $0x2800  }
0x44: {  	[sflag:s21] =	ssyncset.done $0x0  }
0x45: {  	s22 =	simm.s32 $0x16050;
	[sflag:s21] =	ssyncadd.s32 $0xFFFFD800  }
0x46: {  	[spmem:s2] =	stream.indirect.scatter.add.f32 [tilespmem:s23], [sflag:$0x5], $0x80, s22, s18, $0xb8;
	[tilespmem:$0x1FF80] =	vst v63  }
0x47: {  	_ =	swait.ge [sflag:s24], $0x2800  }
0x48: {  	[sflag:s24] =	ssyncset.done $0x0  }
0x49: {  	s6 =	simm.s32 @p0 $0x139C0;
	[sflag:s24] =	ssyncadd.s32 $0xFFFFD800  }
0x4a: {  	[tilespmem:s14], [sflag:$0x2] =	stream.indirect.gather @p0 [hbm4b:s4+s0], $0x80, s6, s0, $0xb8;
	[tilespmem:$0x1FF80] =	vst v63  }
0x4b: {  	s0 =	simm.s32 @!p0 $0x139C0  }
0x4c: {  	[tilespmem:s3], [sflag:$0x2] =	stream.indirect.gather @!p0 [hbm4b:s5+s1], $0x80, s0, s1, $0xb8;
	[tilespmem:$0x1FF80] =	vst v63  }
0x4d: {  	_ =	swait.ge [sflag:s25], $0x2800  }
0x4e: {  	[sflag:s25] =	ssyncset.done $0x0  }
0x4f: {  	s31 =	simm.s32 $0x0;
	s26 =	simm.s32 $0x160A0;
	[sflag:s25] =	ssyncadd.s32 $0xFFFFD800  }
0x50: {  	[spmem:s2] =	stream.indirect.scatter.add.f32 [tilespmem:s28], [sflag:$0x6], $0x80, s26, s18, $0xb8;
	[tilespmem:$0x1FF80] =	vst v63  }
.LBB2_2:
0x51: {  	_ =	swait.ge [sflag:s29], $0x2800;
	p2 =	seq.s32 s31, $0x9600  }
0x52: {  	[sflag:s29] =	ssyncset.done $0x0;
	s0 =	sshra.s32 @!p2 s31, $0x2;
	s1 =	simm.s32 @!p2 $0x50  }
0x53: {  	s3 =	simm.s32 @!p2 $0x1D780;
	[sflag:s29] =	ssyncadd.s32 $0xFFFFD800;
	s0 =	sadd.s32 @!p2 $0x13A10, s0  }
0x54: {  	[tilespmem:s3], [sflag:$0x3] =	stream.indirect.gather @!p2 [hbm4b:s10+s1], $0x80, s0, s1, $0xb8;
	[tilespmem:$0x1FF80] =	vst v63  }
0x55: {  	_ =	swait.ge [sflag:s17], $0x2800  }
0x56: {  	s1 =	sshra.s32 s31, $0x2;
	[sflag:s17] =	ssyncset.done $0x0  }
.Ltmp2:
0x57: {  	s26 =	sadd.s32 $0x160F0, s1;
	[sflag:s17] =	ssyncadd.s32 $0xFFFFD800;
	(pc) =	sbr.rel @p2 .LBB2_4-.Ltmp2, $4  }
0x58: {  	[spmem:s2] =	stream.indirect.scatter.add.f32 [tilespmem:s19], [sflag:$0x4], $0x80, s26, s18, $0xb8;
	[tilespmem:$0x1FF80] =	vst v63  }
0x59: {  	_ =	swait.ge [sflag:s20], $0x2800  }
0x5a: {  	[sflag:s20] =	ssyncset.done $0x0  }
0x5b: {  	s0 =	sadd.s32 $0x16140, s1;
	[sflag:s20] =	ssyncadd.s32 $0xFFFFD800  }
0x5c: {  	s3 =	sadd.s32 $0x13A60, s1  }
0x5d: {  	[tilespmem:s19], [sflag:$0x1] =	stream.indirect.gather [hbm4b:s10+s18], $0x80, s3, s18, $0xb8;
	[tilespmem:$0x1FF80] =	vst v63  }
0x5e: {  	_ =	swait.ge [sflag:s21], $0x2800  }
0x5f: {  	[sflag:s21] =	ssyncset.done $0x0  }
0x60: {  	[sflag:s21] =	ssyncadd.s32 $0xFFFFD800  }
0x61: {  	[spmem:s2] =	stream.indirect.scatter.add.f32 [tilespmem:s23], [sflag:$0x5], $0x80, s0, s18, $0xb8;
	[tilespmem:$0x1FF80] =	vst v63  }
0x62: {  	_ =	swait.ge [sflag:s24], $0x2800  }
0x63: {  	[sflag:s24] =	ssyncset.done $0x0  }
0x64: {  	s22 =	sadd.s32 $0x13AB0, s1;
	[sflag:s24] =	ssyncadd.s32 $0xFFFFD800  }
0x65: {  	[tilespmem:s23], [sflag:$0x2] =	stream.indirect.gather [hbm4b:s10+s18], $0x80, s22, s18, $0xb8;
	[tilespmem:$0x1FF80] =	vst v63  }
.Ltmp3:
0x66: {  	_ = 	snop;
	(pc) =	sbr.rel .LBB2_2-.Ltmp3, $4  }
0x67: {  	_ =	swait.ge [sflag:s25], $0x2800  }
0x68: {  	[sflag:s25] =	ssyncset.done $0x0  }
0x69: {  	s26 =	sadd.s32 $0x16190, s1;
	s31 =	sadd.s32 $0x3C0, s31;
	[sflag:s25] =	ssyncadd.s32 $0xFFFFD800  }
0x6a: {  	[spmem:s2] =	stream.indirect.scatter.add.f32 [tilespmem:s28], [sflag:$0x6], $0x80, s26, s18, $0xb8;
	[tilespmem:$0x1FF80] =	vst v63  }
.LBB2_5:
0x6b: {  	_ =	sfence.sel $0x180000  }
0x6c: {  	[bflag:$0x0] =	sbarrier.arrive $0xFFFF  }
0x6d: {  	_ =	strace $0x9000004A  }
0x6e: {  	s0 =	stileid.u32;
	[bflag:$0x2] =	sbarrier.arrive $0xFFFF  }
0x6f: {  	p0 =	sne.s32 s0, $0x0;
	s0 =	rddreg [dreg:$0x3]  }
0x70: {  	s0 =	sadd.s32 @!p0 $0x100000, s0  }
0x71: {  	[sflag:s0] =	ssyncadd.tile.s32 @!p0 $0x1;
	_ =	shalt  }
.Lfunc_end2:
_tile_overlayer_lowered:
.L_overlay_start_2:
0x72: {  	(tag) =	ssettag $0x2  }
0x73: {  	s0 =	rddreg [dreg:$0x0];
	s2 =	stileid.u32  }
0x74: {  	s1 =	rddreg [dreg:$0x1];
	p0 =	sne.s32 s2, $0x0  }
0x75: {  	s3 =	rddreg [dreg:$0x2];
	[bflag:$0x3] =	sbarrier.arrive $0xFFFF;
	s2 =	simm.s32 @!p0 $0x1C07  }
0x76: {  	[timem:s3], [sflag:s2] =	dma.local @!p0 [hbm:s0], s1  }
0x77: {  	s0 =	simm.s32 @!p0 $0x7  }
0x78: {  	_ =	swait.ge @!p0 [sflag:s0], s1  }
0x79: {  	s1 =	ssub.s32 @!p0 $0x0, s1;
	[sflag:s0] =	ssyncset.done @!p0 $0x0  }
0x7a: {  	[sflag:s0] =	ssyncadd.s32 @!p0 s1  }
0x7b: {  	[bflag:$0x3] =	sbarrier.arrive $0xFFFF  }
0x7c: {  	_ =	shalt  }

</sc_bundles>
